<compile_context>
chip_gen: v7x
topology: tpu7x:2x2x1
jax: 0.10.2.dev20260603
libtpu: 0.0.44.dev20260713+nightly
codegen_flags: <defaults>
</compile_context>

<pallas_src>
import functools

import jax
import jax.numpy as jnp
from jax import lax
from jax.experimental import pallas as pl
from jax.experimental.pallas import tpu as pltpu
from jax.experimental.pallas import tpu_sc as plsc

_B, _S, _P, _D = 4, 2048, 16, 1024

_info = plsc.get_sparse_core_info()
_NC, _NS = _info.num_cores, _info.num_subcores
_NW = _NC * _NS
_RPW = _B * _S // _NW
_WPB = _S // _RPW
_CHUNK = 16
_NCHUNK = _RPW // _CHUNK
_NBUF = 4

_mesh = plsc.VectorSubcoreMesh(core_axis_name="c", subcore_axis_name="s")


@functools.partial(
    pl.kernel,
    mesh=_mesh,
    out_type=jax.ShapeDtypeStruct((_B, _S, _D), jnp.float32),
    scratch_types=[
        pltpu.VMEM((_RPW,), jnp.int32),
        pltpu.VMEM((_NBUF, _CHUNK, _D), jnp.float32),
        pltpu.VMEM((_P, _D), jnp.float32),
        pltpu.SemaphoreType.DMA,
        pltpu.SemaphoreType.DMA,
        pltpu.SemaphoreType.DMA,
    ],
)
def _softprompt_gather(
    tok_hbm, wte_hbm, le_hbm, out_hbm, idx_v, rows_v, le_v, gsem, wsem, lsem
):
    wid = lax.axis_index("c") * _NS + lax.axis_index("s")
    b = wid // _WPB
    col = (wid % _WPB) * _RPW
    is_soft = wid % _WPB == 0

    lcopy = pltpu.make_async_copy(le_hbm, le_v, lsem)

    @pl.when(is_soft)
    def _():
        lcopy.start()

    pltpu.sync_copy(tok_hbm.at[b, pl.ds(col, _RPW)], idx_v)

    def gather(c, buf):
        return pltpu.async_copy(
            wte_hbm.at[idx_v.at[pl.ds(c * _CHUNK, _CHUNK)]], rows_v.at[buf], gsem
        )

    def gather_wait(buf):
        pltpu.make_async_copy(wte_hbm.at[pl.ds(0, _CHUNK)], rows_v.at[buf], gsem).wait()

    def write_wait(buf):
        pltpu.make_async_copy(
            rows_v.at[buf], out_hbm.at[b, pl.ds(col, _CHUNK)], wsem
        ).wait()

    assert _P == _CHUNK

    @pl.when(~is_soft)
    def _():
        gather(0, 0)

    for buf in range(1, _NBUF):
        gather(buf, buf)

    @pl.loop(0, _NCHUNK, step=_NBUF)
    def _(c0):
        for buf in range(_NBUF):
            c = c0 + buf
            if buf == 0:
                soft_first = (c0 == 0) & is_soft

                @pl.when(~soft_first)
                def _():
                    gather_wait(0)
                    pltpu.async_copy(
                        rows_v.at[0],
                        out_hbm.at[b, pl.ds(col + c * _CHUNK, _CHUNK)],
                        wsem,
                    )

                @pl.when(soft_first)
                def _():
                    lcopy.wait()
                    pltpu.async_copy(le_v, out_hbm.at[b, pl.ds(0, _P)], wsem)
            else:
                gather_wait(buf)
                pltpu.async_copy(
                    rows_v.at[buf], out_hbm.at[b, pl.ds(col + c * _CHUNK, _CHUNK)], wsem
                )

            @pl.when(c + _NBUF < _NCHUNK)
            def _():
                write_wait(buf)
                gather(c + _NBUF, buf)

    for buf in range(_NBUF):
        write_wait(buf)


def kernel(tokens, wte, learned_embedding):
    return _softprompt_gather(tokens, wte, learned_embedding)

# --- scband reference (transcript-rebuilt; emitter-appended) ---
"""Pipeline reference for scband-softprompting-59012850647232 (READ-ONLY COPY).

The authoritative reference and input builder live on the scoring server;
editing this copy changes nothing except your own understanding.
"""

import jax, jax.numpy as jnp
import numpy as np

VOCAB = 100000
D = 1024
B = 4
S = 2048
P = 16  # len_soft_prompt (number of tokenized prompt tokens)


def setup_inputs(seed: int = 0) -> dict:
    key = jax.random.key(seed)
    k1, k2, k3 = jax.random.split(key, 3)
    tokens = jax.random.randint(k1, (B, S), 0, VOCAB, dtype=jnp.int64 if jax.config.jax_enable_x64 else jnp.int32).astype(jnp.int32)
    # wte: word-token embedding table (the nn.Embedding weight)
    wte = jax.random.normal(k2, (VOCAB, D), dtype=jnp.float32) * 0.02
    # learned_embedding: parameter initialized from wte.weight[tokenized_prompt], shape [P, D]
    learned_embedding = jax.random.normal(k3, (P, D), dtype=jnp.float32) * 0.02
    return {"tokens": tokens, "wte": wte, "learned_embedding": learned_embedding}


def reference(tokens, wte, learned_embedding):
    # input_embed = self.wte(tokens[:, self.len_soft_prompt:])
    input_embed = jnp.take(wte, tokens[:, P:], axis=0)  # [B, S-P, D]
    # learned_embedding.repeat(batch, 1, 1)
    le = jnp.broadcast_to(learned_embedding[None, :, :], (tokens.shape[0], P, learned_embedding.shape[1]))
    return jnp.concatenate((le, input_embed), axis=1)  # [B, S, D]

if __name__ == "__main__":
    import jax
    _d = setup_inputs()
    print(jax.jit(kernel)(*tuple(_d.values())))

</pallas_src>

<mosaic_0001>
#map = affine_map<(d0, d1) -> (0, 0)>
#map1 = affine_map<(d0, d1) -> (0, 0, 0)>
module attributes {stable_mosaic.version = 14 : i64} {
  func.func @_softprompt_gather(%arg0: i32, %arg1: i32, %arg2: memref<4x2048xi32, #tpu.memory_space<hbm>>, %arg3: memref<100000x1024xf32, #tpu.memory_space<hbm>>, %arg4: memref<16x1024xf32, #tpu.memory_space<hbm>>, %arg5: memref<4x2048x1024xf32, #tpu.memory_space<hbm>>, %arg6: memref<256xi32, #tpu.memory_space<vmem>>, %arg7: memref<4x16x1024xf32, #tpu.memory_space<vmem>>, %arg8: memref<16x1024xf32, #tpu.memory_space<vmem>>, %arg9: memref<!tpu.dma_semaphore, #tpu.memory_space<semaphore_mem>>, %arg10: memref<!tpu.dma_semaphore, #tpu.memory_space<semaphore_mem>>, %arg11: memref<!tpu.dma_semaphore, #tpu.memory_space<semaphore_mem>>) attributes {dimension_semantics = [#tpu.dimension_semantics<core_parallel>, #tpu.dimension_semantics<subcore_parallel>], iteration_bounds = array<i64: 2, 16>, scalar_prefetch = 0 : i64, scratch_operands = 6 : i64, tpu.core_type = #tpu.core_type<sc_vector_subcore>, window_params = [{transform_indices = #map}, {transform_indices = #map}, {transform_indices = #map}, {transform_indices = #map1}]} {
    %mul3A = arith.constant 16 : i32
    %mul3A_0 = arith.muli %arg0, %mul3A : i32
    %add3A = arith.addi %mul3A_0, %arg1 : i32
    %jit3A = arith.constant 8 : i32
    %div3A = arith.divsi %add3A, %jit3A : i32
    %sign3A = arith.constant 0 : i32
    %sign3A_1 = arith.cmpi sgt, %add3A, %sign3A : i32
    %sign3A_2 = arith.extui %sign3A_1 : i1 to i32
    %sign3A_3 = arith.constant 0 : i32
    %sign3A_4 = arith.cmpi slt, %add3A, %sign3A_3 : i32
    %sign3A_5 = arith.extui %sign3A_4 : i1 to i32
    %sign3A_6 = arith.subi %sign3A_2, %sign3A_5 : i32
    %sign3A_7 = arith.constant 0 : i32
    %sign3A_8 = arith.cmpi sgt, %jit3A, %sign3A_7 : i32
    %sign3A_9 = arith.extui %sign3A_8 : i1 to i32
    %sign3A_10 = arith.constant 0 : i32
    %sign3A_11 = arith.cmpi slt, %jit3A, %sign3A_10 : i32
    %sign3A_12 = arith.extui %sign3A_11 : i1 to i32
    %sign3A_13 = arith.subi %sign3A_9, %sign3A_12 : i32
    %ne3A = arith.cmpi ne, %sign3A_6, %sign3A_13 : i32
    %rem3A = arith.remsi %add3A, %jit3A : i32
    %ne3A_14 = arith.constant 0 : i32
    %ne3A_15 = arith.cmpi ne, %rem3A, %ne3A_14 : i32
    %and3A = arith.andi %ne3A, %ne3A_15 : i1
    %sub3A = arith.constant 1 : i32
    %sub3A_16 = arith.subi %div3A, %sub3A : i32
    %select_n3A = arith.select %and3A, %sub3A_16, %div3A : i32
    %jit3A_17 = arith.constant 8 : i32
    %eq3A = arith.constant 0 : i32
    %eq3A_18 = arith.cmpi eq, %jit3A_17, %eq3A : i32
    %jit3A_19 = arith.constant 1 : i32
    %select_n3A_20 = arith.select %eq3A_18, %jit3A_19, %jit3A_17 : i32
    %rem3A_21 = arith.remsi %add3A, %select_n3A_20 : i32
    %ne3A_22 = arith.constant 0 : i32
    %ne3A_23 = arith.cmpi ne, %rem3A_21, %ne3A_22 : i32
    %lt3A = arith.constant 0 : i32
    %lt3A_24 = arith.cmpi slt, %rem3A_21, %lt3A : i32
    %lt3A_25 = arith.constant 0 : i32
    %lt3A_26 = arith.cmpi slt, %select_n3A_20, %lt3A_25 : i32
    %ne3A_27 = arith.xori %lt3A_24, %lt3A_26 : i1
    %and3A_28 = arith.andi %ne3A_27, %ne3A_23 : i1
    %add3A_29 = arith.addi %rem3A_21, %select_n3A_20 : i32
    %select_n3A_30 = arith.select %and3A_28, %add3A_29, %rem3A_21 : i32
    %mul3A_31 = arith.constant 256 : i32
    %mul3A_32 = arith.muli %select_n3A_30, %mul3A_31 : i32
    %jit3A_33 = arith.constant 8 : i32
    %eq3A_34 = arith.constant 0 : i32
    %eq3A_35 = arith.cmpi eq, %jit3A_33, %eq3A_34 : i32
    %jit3A_36 = arith.constant 1 : i32
    %select_n3A_37 = arith.select %eq3A_35, %jit3A_36, %jit3A_33 : i32
    %rem3A_38 = arith.remsi %add3A, %select_n3A_37 : i32
    %ne3A_39 = arith.constant 0 : i32
    %ne3A_40 = arith.cmpi ne, %rem3A_38, %ne3A_39 : i32
    %lt3A_41 = arith.constant 0 : i32
    %lt3A_42 = arith.cmpi slt, %rem3A_38, %lt3A_41 : i32
    %lt3A_43 = arith.constant 0 : i32
    %lt3A_44 = arith.cmpi slt, %select_n3A_37, %lt3A_43 : i32
    %ne3A_45 = arith.xori %lt3A_42, %lt3A_44 : i1
    %and3A_46 = arith.andi %ne3A_45, %ne3A_40 : i1
    %add3A_47 = arith.addi %rem3A_38, %select_n3A_37 : i32
    %select_n3A_48 = arith.select %and3A_46, %add3A_47, %rem3A_38 : i32
    %eq3A_49 = arith.constant 0 : i32
    %eq3A_50 = arith.cmpi eq, %select_n3A_48, %eq3A_49 : i32
    %convert_element_type3A = arith.extui %eq3A_50 : i1 to i32
    %cond3A = arith.constant 0 : i32
    %cond3A_51 = arith.cmpi ne, %convert_element_type3A, %cond3A : i32
    scf.if %cond3A_51 {
      tpu.enqueue_dma source(%arg4 : memref<16x1024xf32, #tpu.memory_space<hbm>>) target(%arg8 : memref<16x1024xf32, #tpu.memory_space<vmem>>) target_semaphore(%arg11 : memref<!tpu.dma_semaphore, #tpu.memory_space<semaphore_mem>>)
    } else {
    }
    "tpu.region"() ({
      %run_scoped3A = tpu.sem_alloc : memref<!tpu.dma_semaphore, #tpu.memory_space<semaphore_mem>>
      %dma_start3A_148 = tpu.memref_slice %arg2[%select_n3A, %mul3A_32] : memref<4x2048xi32, #tpu.memory_space<hbm>> -> memref<1x256xi32, #tpu.memory_space<hbm>>
      %dma_start3A_149 = tpu.memref_squeeze %dma_start3A_148 : memref<1x256xi32, #tpu.memory_space<hbm>> -> memref<256xi32, #tpu.memory_space<hbm>>
      %dma_start3A_150 = tpu.memref_slice %arg2[%select_n3A, %mul3A_32] : memref<4x2048xi32, #tpu.memory_space<hbm>> -> memref<1x256xi32, #tpu.memory_space<hbm>>
      %dma_start3A_151 = tpu.memref_squeeze %dma_start3A_150 : memref<1x256xi32, #tpu.memory_space<hbm>> -> memref<256xi32, #tpu.memory_space<hbm>>
      tpu.enqueue_dma source(%dma_start3A_151 : memref<256xi32, #tpu.memory_space<hbm>>) target(%arg6 : memref<256xi32, #tpu.memory_space<vmem>>) target_semaphore(%run_scoped3A : memref<!tpu.dma_semaphore, #tpu.memory_space<semaphore_mem>>)
      %dma_wait3A_152 = tpu.memref_slice %arg2[%select_n3A, %mul3A_32] : memref<4x2048xi32, #tpu.memory_space<hbm>> -> memref<1x256xi32, #tpu.memory_space<hbm>>
      %dma_wait3A_153 = tpu.memref_squeeze %dma_wait3A_152 : memref<1x256xi32, #tpu.memory_space<hbm>> -> memref<256xi32, #tpu.memory_space<hbm>>
      %dma_wait3A_154 = tpu.memref_slice %arg2[%select_n3A, %mul3A_32] : memref<4x2048xi32, #tpu.memory_space<hbm>> -> memref<1x256xi32, #tpu.memory_space<hbm>>
      %dma_wait3A_155 = tpu.memref_squeeze %dma_wait3A_154 : memref<1x256xi32, #tpu.memory_space<hbm>> -> memref<256xi32, #tpu.memory_space<hbm>>
      tpu.wait_dma2 semaphore(%run_scoped3A : memref<!tpu.dma_semaphore, #tpu.memory_space<semaphore_mem>>) src(%dma_wait3A_155 : memref<256xi32, #tpu.memory_space<hbm>>) dst(%arg6 : memref<256xi32, #tpu.memory_space<vmem>>)
      tpu.yield
    }) : () -> ()
    %not3A = arith.constant true
    %not3A_52 = arith.xori %eq3A_50, %not3A : i1
    %convert_element_type3A_53 = arith.extui %not3A_52 : i1 to i32
    %cond3A_54 = arith.constant 0 : i32
    %cond3A_55 = arith.cmpi ne, %convert_element_type3A_53, %cond3A_54 : i32
    scf.if %cond3A_55 {
      %dma_start3A_148 = arith.constant 0 : i32
      %dma_start3A_149 = arith.constant 0 : i32
      %dma_start3A_150 = arith.constant 0 : i32
      %dma_start3A_151 = tpu.memref_slice %arg7[%dma_start3A_148, %dma_start3A_149, %dma_start3A_150] : memref<4x16x1024xf32, #tpu.memory_space<vmem>> -> memref<1x16x1024xf32, #tpu.memory_space<vmem>>
      %dma_start3A_152 = tpu.memref_squeeze %dma_start3A_151 : memref<1x16x1024xf32, #tpu.memory_space<vmem>> -> memref<16x1024xf32, #tpu.memory_space<vmem>>
      %dma_start3A_153 = arith.constant 0 : i32
      %dma_start3A_154 = tpu.memref_slice %arg6[%dma_start3A_153] : memref<256xi32, #tpu.memory_space<vmem>> -> memref<16xi32, #tpu.memory_space<vmem>>
      %dma_start3A_155 = arith.constant 0 : i32
      %dma_start3A_156 = arith.constant 0 : i32
      %dma_start3A_157 = tpu.memref_slice %arg3[%dma_start3A_155, %dma_start3A_156] : memref<100000x1024xf32, #tpu.memory_space<hbm>> -> memref<100000x1024xf32, #tpu.memory_space<hbm>>
      tpu.enqueue_indirect_dma source(%dma_start3A_157 : memref<100000x1024xf32, #tpu.memory_space<hbm>>) target(%dma_start3A_152 : memref<16x1024xf32, #tpu.memory_space<vmem>>) offsets(%dma_start3A_154 : memref<16xi32, #tpu.memory_space<vmem>>) semaphore(%arg9 : memref<!tpu.dma_semaphore, #tpu.memory_space<semaphore_mem>>)
    } else {
    }
    %dma_start3A = arith.constant 1 : i32
    %dma_start3A_56 = arith.constant 0 : i32
    %dma_start3A_57 = arith.constant 0 : i32
    %dma_start3A_58 = tpu.memref_slice %arg7[%dma_start3A, %dma_start3A_56, %dma_start3A_57] : memref<4x16x1024xf32, #tpu.memory_space<vmem>> -> memref<1x16x1024xf32, #tpu.memory_space<vmem>>
    %dma_start3A_59 = tpu.memref_squeeze %dma_start3A_58 : memref<1x16x1024xf32, #tpu.memory_space<vmem>> -> memref<16x1024xf32, #tpu.memory_space<vmem>>
    %dma_start3A_60 = arith.constant 16 : i32
    %dma_start3A_61 = tpu.memref_slice %arg6[%dma_start3A_60] : memref<256xi32, #tpu.memory_space<vmem>> -> memref<16xi32, #tpu.memory_space<vmem>>
    %dma_start3A_62 = arith.constant 0 : i32
    %dma_start3A_63 = arith.constant 0 : i32
    %dma_start3A_64 = tpu.memref_slice %arg3[%dma_start3A_62, %dma_start3A_63] : memref<100000x1024xf32, #tpu.memory_space<hbm>> -> memref<100000x1024xf32, #tpu.memory_space<hbm>>
    tpu.enqueue_indirect_dma source(%dma_start3A_64 : memref<100000x1024xf32, #tpu.memory_space<hbm>>) target(%dma_start3A_59 : memref<16x1024xf32, #tpu.memory_space<vmem>>) offsets(%dma_start3A_61 : memref<16xi32, #tpu.memory_space<vmem>>) semaphore(%arg9 : memref<!tpu.dma_semaphore, #tpu.memory_space<semaphore_mem>>)
    %dma_start3A_65 = arith.constant 2 : i32
    %dma_start3A_66 = arith.constant 0 : i32
    %dma_start3A_67 = arith.constant 0 : i32
    %dma_start3A_68 = tpu.memref_slice %arg7[%dma_start3A_65, %dma_start3A_66, %dma_start3A_67] : memref<4x16x1024xf32, #tpu.memory_space<vmem>> -> memref<1x16x1024xf32, #tpu.memory_space<vmem>>
    %dma_start3A_69 = tpu.memref_squeeze %dma_start3A_68 : memref<1x16x1024xf32, #tpu.memory_space<vmem>> -> memref<16x1024xf32, #tpu.memory_space<vmem>>
    %dma_start3A_70 = arith.constant 32 : i32
    %dma_start3A_71 = tpu.memref_slice %arg6[%dma_start3A_70] : memref<256xi32, #tpu.memory_space<vmem>> -> memref<16xi32, #tpu.memory_space<vmem>>
    %dma_start3A_72 = arith.constant 0 : i32
    %dma_start3A_73 = arith.constant 0 : i32
    %dma_start3A_74 = tpu.memref_slice %arg3[%dma_start3A_72, %dma_start3A_73] : memref<100000x1024xf32, #tpu.memory_space<hbm>> -> memref<100000x1024xf32, #tpu.memory_space<hbm>>
    tpu.enqueue_indirect_dma source(%dma_start3A_74 : memref<100000x1024xf32, #tpu.memory_space<hbm>>) target(%dma_start3A_69 : memref<16x1024xf32, #tpu.memory_space<vmem>>) offsets(%dma_start3A_71 : memref<16xi32, #tpu.memory_space<vmem>>) semaphore(%arg9 : memref<!tpu.dma_semaphore, #tpu.memory_space<semaphore_mem>>)
    %dma_start3A_75 = arith.constant 3 : i32
    %dma_start3A_76 = arith.constant 0 : i32
    %dma_start3A_77 = arith.constant 0 : i32
    %dma_start3A_78 = tpu.memref_slice %arg7[%dma_start3A_75, %dma_start3A_76, %dma_start3A_77] : memref<4x16x1024xf32, #tpu.memory_space<vmem>> -> memref<1x16x1024xf32, #tpu.memory_space<vmem>>
    %dma_start3A_79 = tpu.memref_squeeze %dma_start3A_78 : memref<1x16x1024xf32, #tpu.memory_space<vmem>> -> memref<16x1024xf32, #tpu.memory_space<vmem>>
    %dma_start3A_80 = arith.constant 48 : i32
    %dma_start3A_81 = tpu.memref_slice %arg6[%dma_start3A_80] : memref<256xi32, #tpu.memory_space<vmem>> -> memref<16xi32, #tpu.memory_space<vmem>>
    %dma_start3A_82 = arith.constant 0 : i32
    %dma_start3A_83 = arith.constant 0 : i32
    %dma_start3A_84 = tpu.memref_slice %arg3[%dma_start3A_82, %dma_start3A_83] : memref<100000x1024xf32, #tpu.memory_space<hbm>> -> memref<100000x1024xf32, #tpu.memory_space<hbm>>
    tpu.enqueue_indirect_dma source(%dma_start3A_84 : memref<100000x1024xf32, #tpu.memory_space<hbm>>) target(%dma_start3A_79 : memref<16x1024xf32, #tpu.memory_space<vmem>>) offsets(%dma_start3A_81 : memref<16xi32, #tpu.memory_space<vmem>>) semaphore(%arg9 : memref<!tpu.dma_semaphore, #tpu.memory_space<semaphore_mem>>)
    %scan3A = arith.constant 0 : i32
    %scan3A_85 = arith.constant 4 : i32
    %scan3A_86 = arith.addi %scan3A, %scan3A_85 : i32
    %scan3A_87 = arith.constant 1 : i32
    scf.for %scan3A_148 = %scan3A to %scan3A_86 step %scan3A_87  : i32 {
      %mul3A_149 = arith.constant 4 : i32
      %mul3A_150 = arith.muli %scan3A_148, %mul3A_149 : i32
      %add3A_151 = arith.constant 0 : i32
      %add3A_152 = arith.addi %add3A_151, %mul3A_150 : i32
      %add3A_153 = arith.constant 0 : i32
      %add3A_154 = arith.addi %add3A_152, %add3A_153 : i32
      %eq3A_155 = arith.constant 0 : i32
      %eq3A_156 = arith.cmpi eq, %add3A_152, %eq3A_155 : i32
      %and3A_157 = arith.andi %eq3A_156, %eq3A_50 : i1
      %not3A_158 = arith.constant true
      %not3A_159 = arith.xori %and3A_157, %not3A_158 : i1
      %convert_element_type3A_160 = arith.extui %not3A_159 : i1 to i32
      %cond3A_161 = arith.constant 0 : i32
      %cond3A_162 = arith.cmpi ne, %convert_element_type3A_160, %cond3A_161 : i32
      scf.if %cond3A_162 {
        %dma_wait3A_299 = arith.constant 0 : i32
        %dma_wait3A_300 = arith.constant 0 : i32
        %dma_wait3A_301 = arith.constant 0 : i32
        %dma_wait3A_302 = tpu.memref_slice %arg7[%dma_wait3A_299, %dma_wait3A_300, %dma_wait3A_301] : memref<4x16x1024xf32, #tpu.memory_space<vmem>> -> memref<1x16x1024xf32, #tpu.memory_space<vmem>>
        %dma_wait3A_303 = tpu.memref_squeeze %dma_wait3A_302 : memref<1x16x1024xf32, #tpu.memory_space<vmem>> -> memref<16x1024xf32, #tpu.memory_space<vmem>>
        %dma_wait3A_304 = arith.constant 0 : i32
        %dma_wait3A_305 = arith.constant 0 : i32
        %dma_wait3A_306 = tpu.memref_slice %arg3[%dma_wait3A_304, %dma_wait3A_305] : memref<100000x1024xf32, #tpu.memory_space<hbm>> -> memref<16x1024xf32, #tpu.memory_space<hbm>>
        %dma_wait3A_307 = arith.constant 0 : i32
        %dma_wait3A_308 = arith.constant 0 : i32
        %dma_wait3A_309 = tpu.memref_slice %arg7[%dma_wait3A_299, %dma_wait3A_307, %dma_wait3A_308] : memref<4x16x1024xf32, #tpu.memory_space<vmem>> -> memref<1x16x1024xf32, #tpu.memory_space<vmem>>
        %dma_wait3A_310 = tpu.memref_squeeze %dma_wait3A_309 : memref<1x16x1024xf32, #tpu.memory_space<vmem>> -> memref<16x1024xf32, #tpu.memory_space<vmem>>
        %dma_wait3A_311 = arith.constant 0 : i32
        %dma_wait3A_312 = arith.constant 0 : i32
        %dma_wait3A_313 = tpu.memref_slice %arg3[%dma_wait3A_311, %dma_wait3A_312] : memref<100000x1024xf32, #tpu.memory_space<hbm>> -> memref<16x1024xf32, #tpu.memory_space<hbm>>
        tpu.wait_dma2 semaphore(%arg9 : memref<!tpu.dma_semaphore, #tpu.memory_space<semaphore_mem>>) src(%dma_wait3A_313 : memref<16x1024xf32, #tpu.memory_space<hbm>>) dst(%dma_wait3A_310 : memref<16x1024xf32, #tpu.memory_space<vmem>>)
        %mul3A_314 = arith.constant 16 : i32
        %mul3A_315 = arith.muli %add3A_154, %mul3A_314 : i32
        %add3A_316 = arith.addi %mul3A_32, %mul3A_315 : i32
        %dma_start3A_317 = arith.constant 0 : i32
        %dma_start3A_318 = arith.constant 0 : i32
        %dma_start3A_319 = arith.constant 0 : i32
        %dma_start3A_320 = tpu.memref_slice %arg7[%dma_start3A_317, %dma_start3A_318, %dma_start3A_319] : memref<4x16x1024xf32, #tpu.memory_space<vmem>> -> memref<1x16x1024xf32, #tpu.memory_space<vmem>>
        %dma_start3A_321 = tpu.memref_squeeze %dma_start3A_320 : memref<1x16x1024xf32, #tpu.memory_space<vmem>> -> memref<16x1024xf32, #tpu.memory_space<vmem>>
        %dma_start3A_322 = arith.constant 0 : i32
        %dma_start3A_323 = tpu.memref_slice %arg5[%select_n3A, %add3A_316, %dma_start3A_322] : memref<4x2048x1024xf32, #tpu.memory_space<hbm>> -> memref<1x16x1024xf32, #tpu.memory_space<hbm>>
        %dma_start3A_324 = tpu.memref_squeeze %dma_start3A_323 : memref<1x16x1024xf32, #tpu.memory_space<hbm>> -> memref<16x1024xf32, #tpu.memory_space<hbm>>
        %dma_start3A_325 = arith.constant 0 : i32
        %dma_start3A_326 = tpu.memref_slice %arg5[%select_n3A, %add3A_316, %dma_start3A_325] : memref<4x2048x1024xf32, #tpu.memory_space<hbm>> -> memref<1x16x1024xf32, #tpu.memory_space<hbm>>
        %dma_start3A_327 = tpu.memref_squeeze %dma_start3A_326 : memref<1x16x1024xf32, #tpu.memory_space<hbm>> -> memref<16x1024xf32, #tpu.memory_space<hbm>>
        %dma_start3A_328 = arith.constant 0 : i32
        %dma_start3A_329 = arith.constant 0 : i32
        %dma_start3A_330 = tpu.memref_slice %arg7[%dma_start3A_317, %dma_start3A_328, %dma_start3A_329] : memref<4x16x1024xf32, #tpu.memory_space<vmem>> -> memref<1x16x1024xf32, #tpu.memory_space<vmem>>
        %dma_start3A_331 = tpu.memref_squeeze %dma_start3A_330 : memref<1x16x1024xf32, #tpu.memory_space<vmem>> -> memref<16x1024xf32, #tpu.memory_space<vmem>>
        tpu.enqueue_dma source(%dma_start3A_331 : memref<16x1024xf32, #tpu.memory_space<vmem>>) target(%dma_start3A_327 : memref<16x1024xf32, #tpu.memory_space<hbm>>) target_semaphore(%arg10 : memref<!tpu.dma_semaphore, #tpu.memory_space<semaphore_mem>>)
      } else {
      }
      %convert_element_type3A_163 = arith.extui %and3A_157 : i1 to i32
      %cond3A_164 = arith.constant 0 : i32
      %cond3A_165 = arith.cmpi ne, %convert_element_type3A_163, %cond3A_164 : i32
      scf.if %cond3A_165 {
        tpu.wait_dma2 semaphore(%arg11 : memref<!tpu.dma_semaphore, #tpu.memory_space<semaphore_mem>>) src(%arg4 : memref<16x1024xf32, #tpu.memory_space<hbm>>) dst(%arg8 : memref<16x1024xf32, #tpu.memory_space<vmem>>)
        %dma_start3A_299 = arith.constant 0 : i32
        %dma_start3A_300 = arith.constant 0 : i32
        %dma_start3A_301 = tpu.memref_slice %arg5[%select_n3A, %dma_start3A_299, %dma_start3A_300] : memref<4x2048x1024xf32, #tpu.memory_space<hbm>> -> memref<1x16x1024xf32, #tpu.memory_space<hbm>>
        %dma_start3A_302 = tpu.memref_squeeze %dma_start3A_301 : memref<1x16x1024xf32, #tpu.memory_space<hbm>> -> memref<16x1024xf32, #tpu.memory_space<hbm>>
        %dma_start3A_303 = arith.constant 0 : i32
        %dma_start3A_304 = arith.constant 0 : i32
        %dma_start3A_305 = tpu.memref_slice %arg5[%select_n3A, %dma_start3A_303, %dma_start3A_304] : memref<4x2048x1024xf32, #tpu.memory_space<hbm>> -> memref<1x16x1024xf32, #tpu.memory_space<hbm>>
        %dma_start3A_306 = tpu.memref_squeeze %dma_start3A_305 : memref<1x16x1024xf32, #tpu.memory_space<hbm>> -> memref<16x1024xf32, #tpu.memory_space<hbm>>
        tpu.enqueue_dma source(%arg8 : memref<16x1024xf32, #tpu.memory_space<vmem>>) target(%dma_start3A_306 : memref<16x1024xf32, #tpu.memory_space<hbm>>) target_semaphore(%arg10 : memref<!tpu.dma_semaphore, #tpu.memory_space<semaphore_mem>>)
      } else {
      }
      %add3A_166 = arith.constant 4 : i32
      %add3A_167 = arith.addi %add3A_154, %add3A_166 : i32
      %lt3A_168 = arith.constant 16 : i32
      %lt3A_169 = arith.cmpi slt, %add3A_167, %lt3A_168 : i32
      %convert_element_type3A_170 = arith.extui %lt3A_169 : i1 to i32
      %cond3A_171 = arith.constant 0 : i32
      %cond3A_172 = arith.cmpi ne, %convert_element_type3A_170, %cond3A_171 : i32
      scf.if %cond3A_172 {
        %dma_wait3A_299 = arith.constant 0 : i32
        %dma_wait3A_300 = arith.constant 0 : i32
        %dma_wait3A_301 = arith.constant 0 : i32
        %dma_wait3A_302 = tpu.memref_slice %arg7[%dma_wait3A_299, %dma_wait3A_300, %dma_wait3A_301] : memref<4x16x1024xf32, #tpu.memory_space<vmem>> -> memref<1x16x1024xf32, #tpu.memory_space<vmem>>
        %dma_wait3A_303 = tpu.memref_squeeze %dma_wait3A_302 : memref<1x16x1024xf32, #tpu.memory_space<vmem>> -> memref<16x1024xf32, #tpu.memory_space<vmem>>
        %dma_wait3A_304 = arith.constant 0 : i32
        %dma_wait3A_305 = tpu.memref_slice %arg5[%select_n3A, %mul3A_32, %dma_wait3A_304] : memref<4x2048x1024xf32, #tpu.memory_space<hbm>> -> memref<1x16x1024xf32, #tpu.memory_space<hbm>>
        %dma_wait3A_306 = tpu.memref_squeeze %dma_wait3A_305 : memref<1x16x1024xf32, #tpu.memory_space<hbm>> -> memref<16x1024xf32, #tpu.memory_space<hbm>>
        %dma_wait3A_307 = arith.constant 0 : i32
        %dma_wait3A_308 = tpu.memref_slice %arg5[%select_n3A, %mul3A_32, %dma_wait3A_307] : memref<4x2048x1024xf32, #tpu.memory_space<hbm>> -> memref<1x16x1024xf32, #tpu.memory_space<hbm>>
        %dma_wait3A_309 = tpu.memref_squeeze %dma_wait3A_308 : memref<1x16x1024xf32, #tpu.memory_space<hbm>> -> memref<16x1024xf32, #tpu.memory_space<hbm>>
        %dma_wait3A_310 = arith.constant 0 : i32
        %dma_wait3A_311 = arith.constant 0 : i32
        %dma_wait3A_312 = tpu.memref_slice %arg7[%dma_wait3A_299, %dma_wait3A_310, %dma_wait3A_311] : memref<4x16x1024xf32, #tpu.memory_space<vmem>> -> memref<1x16x1024xf32, #tpu.memory_space<vmem>>
        %dma_wait3A_313 = tpu.memref_squeeze %dma_wait3A_312 : memref<1x16x1024xf32, #tpu.memory_space<vmem>> -> memref<16x1024xf32, #tpu.memory_space<vmem>>
        tpu.wait_dma2 semaphore(%arg10 : memref<!tpu.dma_semaphore, #tpu.memory_space<semaphore_mem>>) src(%dma_wait3A_313 : memref<16x1024xf32, #tpu.memory_space<vmem>>) dst(%dma_wait3A_309 : memref<16x1024xf32, #tpu.memory_space<hbm>>)
        %add3A_314 = arith.constant 4 : i32
        %add3A_315 = arith.addi %add3A_154, %add3A_314 : i32
        %mul3A_316 = arith.constant 16 : i32
        %mul3A_317 = arith.muli %add3A_315, %mul3A_316 : i32
        %dma_start3A_318 = arith.constant 0 : i32
        %dma_start3A_319 = arith.constant 0 : i32
        %dma_start3A_320 = arith.constant 0 : i32
        %dma_start3A_321 = tpu.memref_slice %arg7[%dma_start3A_318, %dma_start3A_319, %dma_start3A_320] : memref<4x16x1024xf32, #tpu.memory_space<vmem>> -> memref<1x16x1024xf32, #tpu.memory_space<vmem>>
        %dma_start3A_322 = tpu.memref_squeeze %dma_start3A_321 : memref<1x16x1024xf32, #tpu.memory_space<vmem>> -> memref<16x1024xf32, #tpu.memory_space<vmem>>
        %dma_start3A_323 = tpu.memref_slice %arg6[%mul3A_317] : memref<256xi32, #tpu.memory_space<vmem>> -> memref<16xi32, #tpu.memory_space<vmem>>
        %dma_start3A_324 = arith.constant 0 : i32
        %dma_start3A_325 = arith.constant 0 : i32
        %dma_start3A_326 = tpu.memref_slice %arg3[%dma_start3A_324, %dma_start3A_325] : memref<100000x1024xf32, #tpu.memory_space<hbm>> -> memref<100000x1024xf32, #tpu.memory_space<hbm>>
        tpu.enqueue_indirect_dma source(%dma_start3A_326 : memref<100000x1024xf32, #tpu.memory_space<hbm>>) target(%dma_start3A_322 : memref<16x1024xf32, #tpu.memory_space<vmem>>) offsets(%dma_start3A_323 : memref<16xi32, #tpu.memory_space<vmem>>) semaphore(%arg9 : memref<!tpu.dma_semaphore, #tpu.memory_space<semaphore_mem>>)
      } else {
      }
      %add3A_173 = arith.constant 1 : i32
      %add3A_174 = arith.addi %add3A_152, %add3A_173 : i32
      %dma_wait3A_175 = arith.constant 1 : i32
      %dma_wait3A_176 = arith.constant 0 : i32
      %dma_wait3A_177 = arith.constant 0 : i32
      %dma_wait3A_178 = tpu.memref_slice %arg7[%dma_wait3A_175, %dma_wait3A_176, %dma_wait3A_177] : memref<4x16x1024xf32, #tpu.memory_space<vmem>> -> memref<1x16x1024xf32, #tpu.memory_space<vmem>>
      %dma_wait3A_179 = tpu.memref_squeeze %dma_wait3A_178 : memref<1x16x1024xf32, #tpu.memory_space<vmem>> -> memref<16x1024xf32, #tpu.memory_space<vmem>>
      %dma_wait3A_180 = arith.constant 0 : i32
      %dma_wait3A_181 = arith.constant 0 : i32
      %dma_wait3A_182 = tpu.memref_slice %arg3[%dma_wait3A_180, %dma_wait3A_181] : memref<100000x1024xf32, #tpu.memory_space<hbm>> -> memref<16x1024xf32, #tpu.memory_space<hbm>>
      %dma_wait3A_183 = arith.constant 0 : i32
      %dma_wait3A_184 = arith.constant 0 : i32
      %dma_wait3A_185 = tpu.memref_slice %arg7[%dma_wait3A_175, %dma_wait3A_183, %dma_wait3A_184] : memref<4x16x1024xf32, #tpu.memory_space<vmem>> -> memref<1x16x1024xf32, #tpu.memory_space<vmem>>
      %dma_wait3A_186 = tpu.memref_squeeze %dma_wait3A_185 : memref<1x16x1024xf32, #tpu.memory_space<vmem>> -> memref<16x1024xf32, #tpu.memory_space<vmem>>
      %dma_wait3A_187 = arith.constant 0 : i32
      %dma_wait3A_188 = arith.constant 0 : i32
      %dma_wait3A_189 = tpu.memref_slice %arg3[%dma_wait3A_187, %dma_wait3A_188] : memref<100000x1024xf32, #tpu.memory_space<hbm>> -> memref<16x1024xf32, #tpu.memory_space<hbm>>
      tpu.wait_dma2 semaphore(%arg9 : memref<!tpu.dma_semaphore, #tpu.memory_space<semaphore_mem>>) src(%dma_wait3A_189 : memref<16x1024xf32, #tpu.memory_space<hbm>>) dst(%dma_wait3A_186 : memref<16x1024xf32, #tpu.memory_space<vmem>>)
      %mul3A_190 = arith.constant 16 : i32
      %mul3A_191 = arith.muli %add3A_174, %mul3A_190 : i32
      %add3A_192 = arith.addi %mul3A_32, %mul3A_191 : i32
      %dma_start3A_193 = arith.constant 1 : i32
      %dma_start3A_194 = arith.constant 0 : i32
      %dma_start3A_195 = arith.constant 0 : i32
      %dma_start3A_196 = tpu.memref_slice %arg7[%dma_start3A_193, %dma_start3A_194, %dma_start3A_195] : memref<4x16x1024xf32, #tpu.memory_space<vmem>> -> memref<1x16x1024xf32, #tpu.memory_space<vmem>>
      %dma_start3A_197 = tpu.memref_squeeze %dma_start3A_196 : memref<1x16x1024xf32, #tpu.memory_space<vmem>> -> memref<16x1024xf32, #tpu.memory_space<vmem>>
      %dma_start3A_198 = arith.constant 0 : i32
      %dma_start3A_199 = tpu.memref_slice %arg5[%select_n3A, %add3A_192, %dma_start3A_198] : memref<4x2048x1024xf32, #tpu.memory_space<hbm>> -> memref<1x16x1024xf32, #tpu.memory_space<hbm>>
      %dma_start3A_200 = tpu.memref_squeeze %dma_start3A_199 : memref<1x16x1024xf32, #tpu.memory_space<hbm>> -> memref<16x1024xf32, #tpu.memory_space<hbm>>
      %dma_start3A_201 = arith.constant 0 : i32
      %dma_start3A_202 = tpu.memref_slice %arg5[%select_n3A, %add3A_192, %dma_start3A_201] : memref<4x2048x1024xf32, #tpu.memory_space<hbm>> -> memref<1x16x1024xf32, #tpu.memory_space<hbm>>
      %dma_start3A_203 = tpu.memref_squeeze %dma_start3A_202 : memref<1x16x1024xf32, #tpu.memory_space<hbm>> -> memref<16x1024xf32, #tpu.memory_space<hbm>>
      %dma_start3A_204 = arith.constant 0 : i32
      %dma_start3A_205 = arith.constant 0 : i32
      %dma_start3A_206 = tpu.memref_slice %arg7[%dma_start3A_193, %dma_start3A_204, %dma_start3A_205] : memref<4x16x1024xf32, #tpu.memory_space<vmem>> -> memref<1x16x1024xf32, #tpu.memory_space<vmem>>
      %dma_start3A_207 = tpu.memref_squeeze %dma_start3A_206 : memref<1x16x1024xf32, #tpu.memory_space<vmem>> -> memref<16x1024xf32, #tpu.memory_space<vmem>>
      tpu.enqueue_dma source(%dma_start3A_207 : memref<16x1024xf32, #tpu.memory_space<vmem>>) target(%dma_start3A_203 : memref<16x1024xf32, #tpu.memory_space<hbm>>) target_semaphore(%arg10 : memref<!tpu.dma_semaphore, #tpu.memory_space<semaphore_mem>>)
      %add3A_208 = arith.constant 4 : i32
      %add3A_209 = arith.addi %add3A_174, %add3A_208 : i32
      %lt3A_210 = arith.constant 16 : i32
      %lt3A_211 = arith.cmpi slt, %add3A_209, %lt3A_210 : i32
      %convert_element_type3A_212 = arith.extui %lt3A_211 : i1 to i32
      %cond3A_213 = arith.constant 0 : i32
      %cond3A_214 = arith.cmpi ne, %convert_element_type3A_212, %cond3A_213 : i32
      scf.if %cond3A_214 {
        %dma_wait3A_299 = arith.constant 1 : i32
        %dma_wait3A_300 = arith.constant 0 : i32
        %dma_wait3A_301 = arith.constant 0 : i32
        %dma_wait3A_302 = tpu.memref_slice %arg7[%dma_wait3A_299, %dma_wait3A_300, %dma_wait3A_301] : memref<4x16x1024xf32, #tpu.memory_space<vmem>> -> memref<1x16x1024xf32, #tpu.memory_space<vmem>>
        %dma_wait3A_303 = tpu.memref_squeeze %dma_wait3A_302 : memref<1x16x1024xf32, #tpu.memory_space<vmem>> -> memref<16x1024xf32, #tpu.memory_space<vmem>>
        %dma_wait3A_304 = arith.constant 0 : i32
        %dma_wait3A_305 = tpu.memref_slice %arg5[%select_n3A, %mul3A_32, %dma_wait3A_304] : memref<4x2048x1024xf32, #tpu.memory_space<hbm>> -> memref<1x16x1024xf32, #tpu.memory_space<hbm>>
        %dma_wait3A_306 = tpu.memref_squeeze %dma_wait3A_305 : memref<1x16x1024xf32, #tpu.memory_space<hbm>> -> memref<16x1024xf32, #tpu.memory_space<hbm>>
        %dma_wait3A_307 = arith.constant 0 : i32
        %dma_wait3A_308 = tpu.memref_slice %arg5[%select_n3A, %mul3A_32, %dma_wait3A_307] : memref<4x2048x1024xf32, #tpu.memory_space<hbm>> -> memref<1x16x1024xf32, #tpu.memory_space<hbm>>
        %dma_wait3A_309 = tpu.memref_squeeze %dma_wait3A_308 : memref<1x16x1024xf32, #tpu.memory_space<hbm>> -> memref<16x1024xf32, #tpu.memory_space<hbm>>
        %dma_wait3A_310 = arith.constant 0 : i32
        %dma_wait3A_311 = arith.constant 0 : i32
        %dma_wait3A_312 = tpu.memref_slice %arg7[%dma_wait3A_299, %dma_wait3A_310, %dma_wait3A_311] : memref<4x16x1024xf32, #tpu.memory_space<vmem>> -> memref<1x16x1024xf32, #tpu.memory_space<vmem>>
        %dma_wait3A_313 = tpu.memref_squeeze %dma_wait3A_312 : memref<1x16x1024xf32, #tpu.memory_space<vmem>> -> memref<16x1024xf32, #tpu.memory_space<vmem>>
        tpu.wait_dma2 semaphore(%arg10 : memref<!tpu.dma_semaphore, #tpu.memory_space<semaphore_mem>>) src(%dma_wait3A_313 : memref<16x1024xf32, #tpu.memory_space<vmem>>) dst(%dma_wait3A_309 : memref<16x1024xf32, #tpu.memory_space<hbm>>)
        %add3A_314 = arith.constant 4 : i32
        %add3A_315 = arith.addi %add3A_174, %add3A_314 : i32
        %mul3A_316 = arith.constant 16 : i32
        %mul3A_317 = arith.muli %add3A_315, %mul3A_316 : i32
        %dma_start3A_318 = arith.constant 1 : i32
        %dma_start3A_319 = arith.constant 0 : i32
        %dma_start3A_320 = arith.constant 0 : i32
        %dma_start3A_321 = tpu.memref_slice %arg7[%dma_start3A_318, %dma_start3A_319, %dma_start3A_320] : memref<4x16x1024xf32, #tpu.memory_space<vmem>> -> memref<1x16x1024xf32, #tpu.memory_space<vmem>>
        %dma_start3A_322 = tpu.memref_squeeze %dma_start3A_321 : memref<1x16x1024xf32, #tpu.memory_space<vmem>> -> memref<16x1024xf32, #tpu.memory_space<vmem>>
        %dma_start3A_323 = tpu.memref_slice %arg6[%mul3A_317] : memref<256xi32, #tpu.memory_space<vmem>> -> memref<16xi32, #tpu.memory_space<vmem>>
        %dma_start3A_324 = arith.constant 0 : i32
        %dma_start3A_325 = arith.constant 0 : i32
        %dma_start3A_326 = tpu.memref_slice %arg3[%dma_start3A_324, %dma_start3A_325] : memref<100000x1024xf32, #tpu.memory_space<hbm>> -> memref<100000x1024xf32, #tpu.memory_space<hbm>>
        tpu.enqueue_indirect_dma source(%dma_start3A_326 : memref<100000x1024xf32, #tpu.memory_space<hbm>>) target(%dma_start3A_322 : memref<16x1024xf32, #tpu.memory_space<vmem>>) offsets(%dma_start3A_323 : memref<16xi32, #tpu.memory_space<vmem>>) semaphore(%arg9 : memref<!tpu.dma_semaphore, #tpu.memory_space<semaphore_mem>>)
      } else {
      }
      %add3A_215 = arith.constant 2 : i32
      %add3A_216 = arith.addi %add3A_152, %add3A_215 : i32
      %dma_wait3A_217 = arith.constant 2 : i32
      %dma_wait3A_218 = arith.constant 0 : i32
      %dma_wait3A_219 = arith.constant 0 : i32
      %dma_wait3A_220 = tpu.memref_slice %arg7[%dma_wait3A_217, %dma_wait3A_218, %dma_wait3A_219] : memref<4x16x1024xf32, #tpu.memory_space<vmem>> -> memref<1x16x1024xf32, #tpu.memory_space<vmem>>
      %dma_wait3A_221 = tpu.memref_squeeze %dma_wait3A_220 : memref<1x16x1024xf32, #tpu.memory_space<vmem>> -> memref<16x1024xf32, #tpu.memory_space<vmem>>
      %dma_wait3A_222 = arith.constant 0 : i32
      %dma_wait3A_223 = arith.constant 0 : i32
      %dma_wait3A_224 = tpu.memref_slice %arg3[%dma_wait3A_222, %dma_wait3A_223] : memref<100000x1024xf32, #tpu.memory_space<hbm>> -> memref<16x1024xf32, #tpu.memory_space<hbm>>
      %dma_wait3A_225 = arith.constant 0 : i32
      %dma_wait3A_226 = arith.constant 0 : i32
      %dma_wait3A_227 = tpu.memref_slice %arg7[%dma_wait3A_217, %dma_wait3A_225, %dma_wait3A_226] : memref<4x16x1024xf32, #tpu.memory_space<vmem>> -> memref<1x16x1024xf32, #tpu.memory_space<vmem>>
      %dma_wait3A_228 = tpu.memref_squeeze %dma_wait3A_227 : memref<1x16x1024xf32, #tpu.memory_space<vmem>> -> memref<16x1024xf32, #tpu.memory_space<vmem>>
      %dma_wait3A_229 = arith.constant 0 : i32
      %dma_wait3A_230 = arith.constant 0 : i32
      %dma_wait3A_231 = tpu.memref_slice %arg3[%dma_wait3A_229, %dma_wait3A_230] : memref<100000x1024xf32, #tpu.memory_space<hbm>> -> memref<16x1024xf32, #tpu.memory_space<hbm>>
      tpu.wait_dma2 semaphore(%arg9 : memref<!tpu.dma_semaphore, #tpu.memory_space<semaphore_mem>>) src(%dma_wait3A_231 : memref<16x1024xf32, #tpu.memory_space<hbm>>) dst(%dma_wait3A_228 : memref<16x1024xf32, #tpu.memory_space<vmem>>)
      %mul3A_232 = arith.constant 16 : i32
      %mul3A_233 = arith.muli %add3A_216, %mul3A_232 : i32
      %add3A_234 = arith.addi %mul3A_32, %mul3A_233 : i32
      %dma_start3A_235 = arith.constant 2 : i32
      %dma_start3A_236 = arith.constant 0 : i32
      %dma_start3A_237 = arith.constant 0 : i32
      %dma_start3A_238 = tpu.memref_slice %arg7[%dma_start3A_235, %dma_start3A_236, %dma_start3A_237] : memref<4x16x1024xf32, #tpu.memory_space<vmem>> -> memref<1x16x1024xf32, #tpu.memory_space<vmem>>
      %dma_start3A_239 = tpu.memref_squeeze %dma_start3A_238 : memref<1x16x1024xf32, #tpu.memory_space<vmem>> -> memref<16x1024xf32, #tpu.memory_space<vmem>>
      %dma_start3A_240 = arith.constant 0 : i32
      %dma_start3A_241 = tpu.memref_slice %arg5[%select_n3A, %add3A_234, %dma_start3A_240] : memref<4x2048x1024xf32, #tpu.memory_space<hbm>> -> memref<1x16x1024xf32, #tpu.memory_space<hbm>>
      %dma_start3A_242 = tpu.memref_squeeze %dma_start3A_241 : memref<1x16x1024xf32, #tpu.memory_space<hbm>> -> memref<16x1024xf32, #tpu.memory_space<hbm>>
      %dma_start3A_243 = arith.constant 0 : i32
      %dma_start3A_244 = tpu.memref_slice %arg5[%select_n3A, %add3A_234, %dma_start3A_243] : memref<4x2048x1024xf32, #tpu.memory_space<hbm>> -> memref<1x16x1024xf32, #tpu.memory_space<hbm>>
      %dma_start3A_245 = tpu.memref_squeeze %dma_start3A_244 : memref<1x16x1024xf32, #tpu.memory_space<hbm>> -> memref<16x1024xf32, #tpu.memory_space<hbm>>
      %dma_start3A_246 = arith.constant 0 : i32
      %dma_start3A_247 = arith.constant 0 : i32
      %dma_start3A_248 = tpu.memref_slice %arg7[%dma_start3A_235, %dma_start3A_246, %dma_start3A_247] : memref<4x16x1024xf32, #tpu.memory_space<vmem>> -> memref<1x16x1024xf32, #tpu.memory_space<vmem>>
      %dma_start3A_249 = tpu.memref_squeeze %dma_start3A_248 : memref<1x16x1024xf32, #tpu.memory_space<vmem>> -> memref<16x1024xf32, #tpu.memory_space<vmem>>
      tpu.enqueue_dma source(%dma_start3A_249 : memref<16x1024xf32, #tpu.memory_space<vmem>>) target(%dma_start3A_245 : memref<16x1024xf32, #tpu.memory_space<hbm>>) target_semaphore(%arg10 : memref<!tpu.dma_semaphore, #tpu.memory_space<semaphore_mem>>)
      %add3A_250 = arith.constant 4 : i32
      %add3A_251 = arith.addi %add3A_216, %add3A_250 : i32
      %lt3A_252 = arith.constant 16 : i32
      %lt3A_253 = arith.cmpi slt, %add3A_251, %lt3A_252 : i32
      %convert_element_type3A_254 = arith.extui %lt3A_253 : i1 to i32
      %cond3A_255 = arith.constant 0 : i32
      %cond3A_256 = arith.cmpi ne, %convert_element_type3A_254, %cond3A_255 : i32
      scf.if %cond3A_256 {
        %dma_wait3A_299 = arith.constant 2 : i32
        %dma_wait3A_300 = arith.constant 0 : i32
        %dma_wait3A_301 = arith.constant 0 : i32
        %dma_wait3A_302 = tpu.memref_slice %arg7[%dma_wait3A_299, %dma_wait3A_300, %dma_wait3A_301] : memref<4x16x1024xf32, #tpu.memory_space<vmem>> -> memref<1x16x1024xf32, #tpu.memory_space<vmem>>
        %dma_wait3A_303 = tpu.memref_squeeze %dma_wait3A_302 : memref<1x16x1024xf32, #tpu.memory_space<vmem>> -> memref<16x1024xf32, #tpu.memory_space<vmem>>
        %dma_wait3A_304 = arith.constant 0 : i32
        %dma_wait3A_305 = tpu.memref_slice %arg5[%select_n3A, %mul3A_32, %dma_wait3A_304] : memref<4x2048x1024xf32, #tpu.memory_space<hbm>> -> memref<1x16x1024xf32, #tpu.memory_space<hbm>>
        %dma_wait3A_306 = tpu.memref_squeeze %dma_wait3A_305 : memref<1x16x1024xf32, #tpu.memory_space<hbm>> -> memref<16x1024xf32, #tpu.memory_space<hbm>>
        %dma_wait3A_307 = arith.constant 0 : i32
        %dma_wait3A_308 = tpu.memref_slice %arg5[%select_n3A, %mul3A_32, %dma_wait3A_307] : memref<4x2048x1024xf32, #tpu.memory_space<hbm>> -> memref<1x16x1024xf32, #tpu.memory_space<hbm>>
        %dma_wait3A_309 = tpu.memref_squeeze %dma_wait3A_308 : memref<1x16x1024xf32, #tpu.memory_space<hbm>> -> memref<16x1024xf32, #tpu.memory_space<hbm>>
        %dma_wait3A_310 = arith.constant 0 : i32
        %dma_wait3A_311 = arith.constant 0 : i32
        %dma_wait3A_312 = tpu.memref_slice %arg7[%dma_wait3A_299, %dma_wait3A_310, %dma_wait3A_311] : memref<4x16x1024xf32, #tpu.memory_space<vmem>> -> memref<1x16x1024xf32, #tpu.memory_space<vmem>>
        %dma_wait3A_313 = tpu.memref_squeeze %dma_wait3A_312 : memref<1x16x1024xf32, #tpu.memory_space<vmem>> -> memref<16x1024xf32, #tpu.memory_space<vmem>>
        tpu.wait_dma2 semaphore(%arg10 : memref<!tpu.dma_semaphore, #tpu.memory_space<semaphore_mem>>) src(%dma_wait3A_313 : memref<16x1024xf32, #tpu.memory_space<vmem>>) dst(%dma_wait3A_309 : memref<16x1024xf32, #tpu.memory_space<hbm>>)
        %add3A_314 = arith.constant 4 : i32
        %add3A_315 = arith.addi %add3A_216, %add3A_314 : i32
        %mul3A_316 = arith.constant 16 : i32
        %mul3A_317 = arith.muli %add3A_315, %mul3A_316 : i32
        %dma_start3A_318 = arith.constant 2 : i32
        %dma_start3A_319 = arith.constant 0 : i32
        %dma_start3A_320 = arith.constant 0 : i32
        %dma_start3A_321 = tpu.memref_slice %arg7[%dma_start3A_318, %dma_start3A_319, %dma_start3A_320] : memref<4x16x1024xf32, #tpu.memory_space<vmem>> -> memref<1x16x1024xf32, #tpu.memory_space<vmem>>
        %dma_start3A_322 = tpu.memref_squeeze %dma_start3A_321 : memref<1x16x1024xf32, #tpu.memory_space<vmem>> -> memref<16x1024xf32, #tpu.memory_space<vmem>>
        %dma_start3A_323 = tpu.memref_slice %arg6[%mul3A_317] : memref<256xi32, #tpu.memory_space<vmem>> -> memref<16xi32, #tpu.memory_space<vmem>>
        %dma_start3A_324 = arith.constant 0 : i32
        %dma_start3A_325 = arith.constant 0 : i32
        %dma_start3A_326 = tpu.memref_slice %arg3[%dma_start3A_324, %dma_start3A_325] : memref<100000x1024xf32, #tpu.memory_space<hbm>> -> memref<100000x1024xf32, #tpu.memory_space<hbm>>
        tpu.enqueue_indirect_dma source(%dma_start3A_326 : memref<100000x1024xf32, #tpu.memory_space<hbm>>) target(%dma_start3A_322 : memref<16x1024xf32, #tpu.memory_space<vmem>>) offsets(%dma_start3A_323 : memref<16xi32, #tpu.memory_space<vmem>>) semaphore(%arg9 : memref<!tpu.dma_semaphore, #tpu.memory_space<semaphore_mem>>)
      } else {
      }
      %add3A_257 = arith.constant 3 : i32
      %add3A_258 = arith.addi %add3A_152, %add3A_257 : i32
      %dma_wait3A_259 = arith.constant 3 : i32
      %dma_wait3A_260 = arith.constant 0 : i32
      %dma_wait3A_261 = arith.constant 0 : i32
      %dma_wait3A_262 = tpu.memref_slice %arg7[%dma_wait3A_259, %dma_wait3A_260, %dma_wait3A_261] : memref<4x16x1024xf32, #tpu.memory_space<vmem>> -> memref<1x16x1024xf32, #tpu.memory_space<vmem>>
      %dma_wait3A_263 = tpu.memref_squeeze %dma_wait3A_262 : memref<1x16x1024xf32, #tpu.memory_space<vmem>> -> memref<16x1024xf32, #tpu.memory_space<vmem>>
      %dma_wait3A_264 = arith.constant 0 : i32
      %dma_wait3A_265 = arith.constant 0 : i32
      %dma_wait3A_266 = tpu.memref_slice %arg3[%dma_wait3A_264, %dma_wait3A_265] : memref<100000x1024xf32, #tpu.memory_space<hbm>> -> memref<16x1024xf32, #tpu.memory_space<hbm>>
      %dma_wait3A_267 = arith.constant 0 : i32
      %dma_wait3A_268 = arith.constant 0 : i32
      %dma_wait3A_269 = tpu.memref_slice %arg7[%dma_wait3A_259, %dma_wait3A_267, %dma_wait3A_268] : memref<4x16x1024xf32, #tpu.memory_space<vmem>> -> memref<1x16x1024xf32, #tpu.memory_space<vmem>>
      %dma_wait3A_270 = tpu.memref_squeeze %dma_wait3A_269 : memref<1x16x1024xf32, #tpu.memory_space<vmem>> -> memref<16x1024xf32, #tpu.memory_space<vmem>>
      %dma_wait3A_271 = arith.constant 0 : i32
      %dma_wait3A_272 = arith.constant 0 : i32
      %dma_wait3A_273 = tpu.memref_slice %arg3[%dma_wait3A_271, %dma_wait3A_272] : memref<100000x1024xf32, #tpu.memory_space<hbm>> -> memref<16x1024xf32, #tpu.memory_space<hbm>>
      tpu.wait_dma2 semaphore(%arg9 : memref<!tpu.dma_semaphore, #tpu.memory_space<semaphore_mem>>) src(%dma_wait3A_273 : memref<16x1024xf32, #tpu.memory_space<hbm>>) dst(%dma_wait3A_270 : memref<16x1024xf32, #tpu.memory_space<vmem>>)
      %mul3A_274 = arith.constant 16 : i32
      %mul3A_275 = arith.muli %add3A_258, %mul3A_274 : i32
      %add3A_276 = arith.addi %mul3A_32, %mul3A_275 : i32
      %dma_start3A_277 = arith.constant 3 : i32
      %dma_start3A_278 = arith.constant 0 : i32
      %dma_start3A_279 = arith.constant 0 : i32
      %dma_start3A_280 = tpu.memref_slice %arg7[%dma_start3A_277, %dma_start3A_278, %dma_start3A_279] : memref<4x16x1024xf32, #tpu.memory_space<vmem>> -> memref<1x16x1024xf32, #tpu.memory_space<vmem>>
      %dma_start3A_281 = tpu.memref_squeeze %dma_start3A_280 : memref<1x16x1024xf32, #tpu.memory_space<vmem>> -> memref<16x1024xf32, #tpu.memory_space<vmem>>
      %dma_start3A_282 = arith.constant 0 : i32
      %dma_start3A_283 = tpu.memref_slice %arg5[%select_n3A, %add3A_276, %dma_start3A_282] : memref<4x2048x1024xf32, #tpu.memory_space<hbm>> -> memref<1x16x1024xf32, #tpu.memory_space<hbm>>
      %dma_start3A_284 = tpu.memref_squeeze %dma_start3A_283 : memref<1x16x1024xf32, #tpu.memory_space<hbm>> -> memref<16x1024xf32, #tpu.memory_space<hbm>>
      %dma_start3A_285 = arith.constant 0 : i32
      %dma_start3A_286 = tpu.memref_slice %arg5[%select_n3A, %add3A_276, %dma_start3A_285] : memref<4x2048x1024xf32, #tpu.memory_space<hbm>> -> memref<1x16x1024xf32, #tpu.memory_space<hbm>>
      %dma_start3A_287 = tpu.memref_squeeze %dma_start3A_286 : memref<1x16x1024xf32, #tpu.memory_space<hbm>> -> memref<16x1024xf32, #tpu.memory_space<hbm>>
      %dma_start3A_288 = arith.constant 0 : i32
      %dma_start3A_289 = arith.constant 0 : i32
      %dma_start3A_290 = tpu.memref_slice %arg7[%dma_start3A_277, %dma_start3A_288, %dma_start3A_289] : memref<4x16x1024xf32, #tpu.memory_space<vmem>> -> memref<1x16x1024xf32, #tpu.memory_space<vmem>>
      %dma_start3A_291 = tpu.memref_squeeze %dma_start3A_290 : memref<1x16x1024xf32, #tpu.memory_space<vmem>> -> memref<16x1024xf32, #tpu.memory_space<vmem>>
      tpu.enqueue_dma source(%dma_start3A_291 : memref<16x1024xf32, #tpu.memory_space<vmem>>) target(%dma_start3A_287 : memref<16x1024xf32, #tpu.memory_space<hbm>>) target_semaphore(%arg10 : memref<!tpu.dma_semaphore, #tpu.memory_space<semaphore_mem>>)
      %add3A_292 = arith.constant 4 : i32
      %add3A_293 = arith.addi %add3A_258, %add3A_292 : i32
      %lt3A_294 = arith.constant 16 : i32
      %lt3A_295 = arith.cmpi slt, %add3A_293, %lt3A_294 : i32
      %convert_element_type3A_296 = arith.extui %lt3A_295 : i1 to i32
      %cond3A_297 = arith.constant 0 : i32
      %cond3A_298 = arith.cmpi ne, %convert_element_type3A_296, %cond3A_297 : i32
      scf.if %cond3A_298 {
        %dma_wait3A_299 = arith.constant 3 : i32
        %dma_wait3A_300 = arith.constant 0 : i32
        %dma_wait3A_301 = arith.constant 0 : i32
        %dma_wait3A_302 = tpu.memref_slice %arg7[%dma_wait3A_299, %dma_wait3A_300, %dma_wait3A_301] : memref<4x16x1024xf32, #tpu.memory_space<vmem>> -> memref<1x16x1024xf32, #tpu.memory_space<vmem>>
        %dma_wait3A_303 = tpu.memref_squeeze %dma_wait3A_302 : memref<1x16x1024xf32, #tpu.memory_space<vmem>> -> memref<16x1024xf32, #tpu.memory_space<vmem>>
        %dma_wait3A_304 = arith.constant 0 : i32
        %dma_wait3A_305 = tpu.memref_slice %arg5[%select_n3A, %mul3A_32, %dma_wait3A_304] : memref<4x2048x1024xf32, #tpu.memory_space<hbm>> -> memref<1x16x1024xf32, #tpu.memory_space<hbm>>
        %dma_wait3A_306 = tpu.memref_squeeze %dma_wait3A_305 : memref<1x16x1024xf32, #tpu.memory_space<hbm>> -> memref<16x1024xf32, #tpu.memory_space<hbm>>
        %dma_wait3A_307 = arith.constant 0 : i32
        %dma_wait3A_308 = tpu.memref_slice %arg5[%select_n3A, %mul3A_32, %dma_wait3A_307] : memref<4x2048x1024xf32, #tpu.memory_space<hbm>> -> memref<1x16x1024xf32, #tpu.memory_space<hbm>>
        %dma_wait3A_309 = tpu.memref_squeeze %dma_wait3A_308 : memref<1x16x1024xf32, #tpu.memory_space<hbm>> -> memref<16x1024xf32, #tpu.memory_space<hbm>>
        %dma_wait3A_310 = arith.constant 0 : i32
        %dma_wait3A_311 = arith.constant 0 : i32
        %dma_wait3A_312 = tpu.memref_slice %arg7[%dma_wait3A_299, %dma_wait3A_310, %dma_wait3A_311] : memref<4x16x1024xf32, #tpu.memory_space<vmem>> -> memref<1x16x1024xf32, #tpu.memory_space<vmem>>
        %dma_wait3A_313 = tpu.memref_squeeze %dma_wait3A_312 : memref<1x16x1024xf32, #tpu.memory_space<vmem>> -> memref<16x1024xf32, #tpu.memory_space<vmem>>
        tpu.wait_dma2 semaphore(%arg10 : memref<!tpu.dma_semaphore, #tpu.memory_space<semaphore_mem>>) src(%dma_wait3A_313 : memref<16x1024xf32, #tpu.memory_space<vmem>>) dst(%dma_wait3A_309 : memref<16x1024xf32, #tpu.memory_space<hbm>>)
        %add3A_314 = arith.constant 4 : i32
        %add3A_315 = arith.addi %add3A_258, %add3A_314 : i32
        %mul3A_316 = arith.constant 16 : i32
        %mul3A_317 = arith.muli %add3A_315, %mul3A_316 : i32
        %dma_start3A_318 = arith.constant 3 : i32
        %dma_start3A_319 = arith.constant 0 : i32
        %dma_start3A_320 = arith.constant 0 : i32
        %dma_start3A_321 = tpu.memref_slice %arg7[%dma_start3A_318, %dma_start3A_319, %dma_start3A_320] : memref<4x16x1024xf32, #tpu.memory_space<vmem>> -> memref<1x16x1024xf32, #tpu.memory_space<vmem>>
        %dma_start3A_322 = tpu.memref_squeeze %dma_start3A_321 : memref<1x16x1024xf32, #tpu.memory_space<vmem>> -> memref<16x1024xf32, #tpu.memory_space<vmem>>
        %dma_start3A_323 = tpu.memref_slice %arg6[%mul3A_317] : memref<256xi32, #tpu.memory_space<vmem>> -> memref<16xi32, #tpu.memory_space<vmem>>
        %dma_start3A_324 = arith.constant 0 : i32
        %dma_start3A_325 = arith.constant 0 : i32
        %dma_start3A_326 = tpu.memref_slice %arg3[%dma_start3A_324, %dma_start3A_325] : memref<100000x1024xf32, #tpu.memory_space<hbm>> -> memref<100000x1024xf32, #tpu.memory_space<hbm>>
        tpu.enqueue_indirect_dma source(%dma_start3A_326 : memref<100000x1024xf32, #tpu.memory_space<hbm>>) target(%dma_start3A_322 : memref<16x1024xf32, #tpu.memory_space<vmem>>) offsets(%dma_start3A_323 : memref<16xi32, #tpu.memory_space<vmem>>) semaphore(%arg9 : memref<!tpu.dma_semaphore, #tpu.memory_space<semaphore_mem>>)
      } else {
      }
    }
    %scan3A_88 = arith.constant 4 : i32
    %dma_wait3A = arith.constant 0 : i32
    %dma_wait3A_89 = arith.constant 0 : i32
    %dma_wait3A_90 = arith.constant 0 : i32
    %dma_wait3A_91 = tpu.memref_slice %arg7[%dma_wait3A, %dma_wait3A_89, %dma_wait3A_90] : memref<4x16x1024xf32, #tpu.memory_space<vmem>> -> memref<1x16x1024xf32, #tpu.memory_space<vmem>>
    %dma_wait3A_92 = tpu.memref_squeeze %dma_wait3A_91 : memref<1x16x1024xf32, #tpu.memory_space<vmem>> -> memref<16x1024xf32, #tpu.memory_space<vmem>>
    %dma_wait3A_93 = arith.constant 0 : i32
    %dma_wait3A_94 = tpu.memref_slice %arg5[%select_n3A, %mul3A_32, %dma_wait3A_93] : memref<4x2048x1024xf32, #tpu.memory_space<hbm>> -> memref<1x16x1024xf32, #tpu.memory_space<hbm>>
    %dma_wait3A_95 = tpu.memref_squeeze %dma_wait3A_94 : memref<1x16x1024xf32, #tpu.memory_space<hbm>> -> memref<16x1024xf32, #tpu.memory_space<hbm>>
    %dma_wait3A_96 = arith.constant 0 : i32
    %dma_wait3A_97 = tpu.memref_slice %arg5[%select_n3A, %mul3A_32, %dma_wait3A_96] : memref<4x2048x1024xf32, #tpu.memory_space<hbm>> -> memref<1x16x1024xf32, #tpu.memory_space<hbm>>
    %dma_wait3A_98 = tpu.memref_squeeze %dma_wait3A_97 : memref<1x16x1024xf32, #tpu.memory_space<hbm>> -> memref<16x1024xf32, #tpu.memory_space<hbm>>
    %dma_wait3A_99 = arith.constant 0 : i32
    %dma_wait3A_100 = arith.constant 0 : i32
    %dma_wait3A_101 = tpu.memref_slice %arg7[%dma_wait3A, %dma_wait3A_99, %dma_wait3A_100] : memref<4x16x1024xf32, #tpu.memory_space<vmem>> -> memref<1x16x1024xf32, #tpu.memory_space<vmem>>
    %dma_wait3A_102 = tpu.memref_squeeze %dma_wait3A_101 : memref<1x16x1024xf32, #tpu.memory_space<vmem>> -> memref<16x1024xf32, #tpu.memory_space<vmem>>
    tpu.wait_dma2 semaphore(%arg10 : memref<!tpu.dma_semaphore, #tpu.memory_space<semaphore_mem>>) src(%dma_wait3A_102 : memref<16x1024xf32, #tpu.memory_space<vmem>>) dst(%dma_wait3A_98 : memref<16x1024xf32, #tpu.memory_space<hbm>>)
    %dma_wait3A_103 = arith.constant 1 : i32
    %dma_wait3A_104 = arith.constant 0 : i32
    %dma_wait3A_105 = arith.constant 0 : i32
    %dma_wait3A_106 = tpu.memref_slice %arg7[%dma_wait3A_103, %dma_wait3A_104, %dma_wait3A_105] : memref<4x16x1024xf32, #tpu.memory_space<vmem>> -> memref<1x16x1024xf32, #tpu.memory_space<vmem>>
    %dma_wait3A_107 = tpu.memref_squeeze %dma_wait3A_106 : memref<1x16x1024xf32, #tpu.memory_space<vmem>> -> memref<16x1024xf32, #tpu.memory_space<vmem>>
    %dma_wait3A_108 = arith.constant 0 : i32
    %dma_wait3A_109 = tpu.memref_slice %arg5[%select_n3A, %mul3A_32, %dma_wait3A_108] : memref<4x2048x1024xf32, #tpu.memory_space<hbm>> -> memref<1x16x1024xf32, #tpu.memory_space<hbm>>
    %dma_wait3A_110 = tpu.memref_squeeze %dma_wait3A_109 : memref<1x16x1024xf32, #tpu.memory_space<hbm>> -> memref<16x1024xf32, #tpu.memory_space<hbm>>
    %dma_wait3A_111 = arith.constant 0 : i32
    %dma_wait3A_112 = tpu.memref_slice %arg5[%select_n3A, %mul3A_32, %dma_wait3A_111] : memref<4x2048x1024xf32, #tpu.memory_space<hbm>> -> memref<1x16x1024xf32, #tpu.memory_space<hbm>>
    %dma_wait3A_113 = tpu.memref_squeeze %dma_wait3A_112 : memref<1x16x1024xf32, #tpu.memory_space<hbm>> -> memref<16x1024xf32, #tpu.memory_space<hbm>>
    %dma_wait3A_114 = arith.constant 0 : i32
    %dma_wait3A_115 = arith.constant 0 : i32
    %dma_wait3A_116 = tpu.memref_slice %arg7[%dma_wait3A_103, %dma_wait3A_114, %dma_wait3A_115] : memref<4x16x1024xf32, #tpu.memory_space<vmem>> -> memref<1x16x1024xf32, #tpu.memory_space<vmem>>
    %dma_wait3A_117 = tpu.memref_squeeze %dma_wait3A_116 : memref<1x16x1024xf32, #tpu.memory_space<vmem>> -> memref<16x1024xf32, #tpu.memory_space<vmem>>
    tpu.wait_dma2 semaphore(%arg10 : memref<!tpu.dma_semaphore, #tpu.memory_space<semaphore_mem>>) src(%dma_wait3A_117 : memref<16x1024xf32, #tpu.memory_space<vmem>>) dst(%dma_wait3A_113 : memref<16x1024xf32, #tpu.memory_space<hbm>>)
    %dma_wait3A_118 = arith.constant 2 : i32
    %dma_wait3A_119 = arith.constant 0 : i32
    %dma_wait3A_120 = arith.constant 0 : i32
    %dma_wait3A_121 = tpu.memref_slice %arg7[%dma_wait3A_118, %dma_wait3A_119, %dma_wait3A_120] : memref<4x16x1024xf32, #tpu.memory_space<vmem>> -> memref<1x16x1024xf32, #tpu.memory_space<vmem>>
    %dma_wait3A_122 = tpu.memref_squeeze %dma_wait3A_121 : memref<1x16x1024xf32, #tpu.memory_space<vmem>> -> memref<16x1024xf32, #tpu.memory_space<vmem>>
    %dma_wait3A_123 = arith.constant 0 : i32
    %dma_wait3A_124 = tpu.memref_slice %arg5[%select_n3A, %mul3A_32, %dma_wait3A_123] : memref<4x2048x1024xf32, #tpu.memory_space<hbm>> -> memref<1x16x1024xf32, #tpu.memory_space<hbm>>
    %dma_wait3A_125 = tpu.memref_squeeze %dma_wait3A_124 : memref<1x16x1024xf32, #tpu.memory_space<hbm>> -> memref<16x1024xf32, #tpu.memory_space<hbm>>
    %dma_wait3A_126 = arith.constant 0 : i32
    %dma_wait3A_127 = tpu.memref_slice %arg5[%select_n3A, %mul3A_32, %dma_wait3A_126] : memref<4x2048x1024xf32, #tpu.memory_space<hbm>> -> memref<1x16x1024xf32, #tpu.memory_space<hbm>>
    %dma_wait3A_128 = tpu.memref_squeeze %dma_wait3A_127 : memref<1x16x1024xf32, #tpu.memory_space<hbm>> -> memref<16x1024xf32, #tpu.memory_space<hbm>>
    %dma_wait3A_129 = arith.constant 0 : i32
    %dma_wait3A_130 = arith.constant 0 : i32
    %dma_wait3A_131 = tpu.memref_slice %arg7[%dma_wait3A_118, %dma_wait3A_129, %dma_wait3A_130] : memref<4x16x1024xf32, #tpu.memory_space<vmem>> -> memref<1x16x1024xf32, #tpu.memory_space<vmem>>
    %dma_wait3A_132 = tpu.memref_squeeze %dma_wait3A_131 : memref<1x16x1024xf32, #tpu.memory_space<vmem>> -> memref<16x1024xf32, #tpu.memory_space<vmem>>
    tpu.wait_dma2 semaphore(%arg10 : memref<!tpu.dma_semaphore, #tpu.memory_space<semaphore_mem>>) src(%dma_wait3A_132 : memref<16x1024xf32, #tpu.memory_space<vmem>>) dst(%dma_wait3A_128 : memref<16x1024xf32, #tpu.memory_space<hbm>>)
    %dma_wait3A_133 = arith.constant 3 : i32
    %dma_wait3A_134 = arith.constant 0 : i32
    %dma_wait3A_135 = arith.constant 0 : i32
    %dma_wait3A_136 = tpu.memref_slice %arg7[%dma_wait3A_133, %dma_wait3A_134, %dma_wait3A_135] : memref<4x16x1024xf32, #tpu.memory_space<vmem>> -> memref<1x16x1024xf32, #tpu.memory_space<vmem>>
    %dma_wait3A_137 = tpu.memref_squeeze %dma_wait3A_136 : memref<1x16x1024xf32, #tpu.memory_space<vmem>> -> memref<16x1024xf32, #tpu.memory_space<vmem>>
    %dma_wait3A_138 = arith.constant 0 : i32
    %dma_wait3A_139 = tpu.memref_slice %arg5[%select_n3A, %mul3A_32, %dma_wait3A_138] : memref<4x2048x1024xf32, #tpu.memory_space<hbm>> -> memref<1x16x1024xf32, #tpu.memory_space<hbm>>
    %dma_wait3A_140 = tpu.memref_squeeze %dma_wait3A_139 : memref<1x16x1024xf32, #tpu.memory_space<hbm>> -> memref<16x1024xf32, #tpu.memory_space<hbm>>
    %dma_wait3A_141 = arith.constant 0 : i32
    %dma_wait3A_142 = tpu.memref_slice %arg5[%select_n3A, %mul3A_32, %dma_wait3A_141] : memref<4x2048x1024xf32, #tpu.memory_space<hbm>> -> memref<1x16x1024xf32, #tpu.memory_space<hbm>>
    %dma_wait3A_143 = tpu.memref_squeeze %dma_wait3A_142 : memref<1x16x1024xf32, #tpu.memory_space<hbm>> -> memref<16x1024xf32, #tpu.memory_space<hbm>>
    %dma_wait3A_144 = arith.constant 0 : i32
    %dma_wait3A_145 = arith.constant 0 : i32
    %dma_wait3A_146 = tpu.memref_slice %arg7[%dma_wait3A_133, %dma_wait3A_144, %dma_wait3A_145] : memref<4x16x1024xf32, #tpu.memory_space<vmem>> -> memref<1x16x1024xf32, #tpu.memory_space<vmem>>
    %dma_wait3A_147 = tpu.memref_squeeze %dma_wait3A_146 : memref<1x16x1024xf32, #tpu.memory_space<vmem>> -> memref<16x1024xf32, #tpu.memory_space<vmem>>
    tpu.wait_dma2 semaphore(%arg10 : memref<!tpu.dma_semaphore, #tpu.memory_space<semaphore_mem>>) src(%dma_wait3A_147 : memref<16x1024xf32, #tpu.memory_space<vmem>>) dst(%dma_wait3A_143 : memref<16x1024xf32, #tpu.memory_space<hbm>>)
    return
  }
}

</mosaic_0001>

<sc_bundles>
// kernel: kernel.3.cloned.1.call-start
scs
__scs_entry_jumppad:
0x0: {  	(pc) =	sbr.rel $0x88, $3  }
0x1: {  	(tag) =	ssettag $0x0;
	lr =	simm.s32 $0x1  }
0x2: {  	[smem:$0x3F9E] =	sst lr;
	_ =	strace $0xD0000000  }
0x3: {  	_ = 	snop  }
0x4: {  	_ = 	snop  }
0x5: {  	_ = 	snop  }
0x6: {  	_ = 	snop  }
0x7: {  	_ = 	snop  }
__scs_overlays_trampoline_lowered:
0x8: {  	[smem:$0x3FAD] =	sst s0  }
0x9: {  	[smem:$0x3FAE] =	sst s1  }
0xa: {  	[smem:$0x3FAF] =	sst s2  }
0xb: {  	[smem:$0x3FB0] =	sst s3  }
0xc: {  	[smem:$0x3FB1] =	sst s4  }
0xd: {  	[smem:$0x3FB2] =	sst s5  }
0xe: {  	[smem:$0x3FB3] =	sst s6  }
0xf: {  	[smem:$0x3FB4] =	sst s7  }
0x10: {  	[smem:$0x3FB5] =	sst s8  }
0x11: {  	[smem:$0x3FB6] =	sst s9;
	s0 =	simm.s32 @!p0 $0x0  }
0x12: {  	s1 =	sld [smem:$0x3F9C];
	s0 =	simm.s32 @p0 $0x1  }
0x13: {  	[smem:$0x3FB7] =	sst s0;
	s0 =	simm.s32 @!p1 $0x0  }
0x14: {  	s2 =	sld [smem:$0x3F9B];
	s0 =	simm.s32 @p1 $0x1  }
0x15: {  	[smem:$0x3FB8] =	sst s0;
	s0 =	simm.s32 @!p2 $0x0  }
0x16: {  	s3 =	sld [smem:$0x3FDB];
	s0 =	simm.s32 @p2 $0x1  }
0x17: {  	s4 =	simm.s32 $0x1BF5;
	[smem:$0x3FBA] =	sst s0  }
0x18: {  	s0 =	sld [smem:$0x3F9D];
	_ =	swait.ge [sflag:s4], $0x0  }
0x19: {  	s7 =	sld [smem:$0x3F9E]  }
0x1a: {  	s8 =	sadd.s32 $0xFFFFE003, lr  }
0x1b: {  	s9 =	sadd.s32 $0xFFFFFEF7, lr;
	s5 =	simm.s32 $0xFFFFFFFF;
	p2 =	slt.u32 s8, $0xFFFFF086  }
0x1c: {  	p1 =	slt.u32 s9, $0xF7A;
	s5 =	simm.s32 @!p2 $0x0  }
0x1d: {  	s5 =	simm.s32 @p1 $0x1;
	p0 =	seq.s32 s7, s2  }
0x1e: {  	s7 =	smul.u32 @!p0 $0xF7A, s2;
	p2 =	seq.s32 @!p0 s5, $0x0  }
0x1f: {  	s9 =	smul.u32 $0xF7A, s1;
	s8 =	simm.s32 @!p0 $0x1BF5;
	p2 =	por !p2, p0  }
0x20: {  	[sflag:s8] =	ssyncset.s32 @!p0 $0xFFFFF086;
	s6 =	sadd.s32 @!p0 s3, s7;
	s7 =	simm.s32 @!p0 $0x108  }
0x21: {  	s3 =	sadd.s32 s3, s9;
	s6 =	sadd.s32 @!p0 $0x88, s6;
	s7 =	simm.s32 @p2 $0x1082  }
0x22: {  	[simem:s7], [sflag:s8] =	dma.local @!p0 [hbm:s6], $0xF7A  }
0x23: {  	s9 =	sor.u32 $0xD0000000, s2;
	s6 =	simm.s32 $0x108;
	_ =	swait.ge @!p0 [sflag:s8], $0x0  }
0x24: {  	s3 =	sadd.s32 $0x88, s3;
	s6 =	simm.s32 @!p1 $0x1082;
	[sflag:s4] =	ssyncset.s32 $0xFFFFF086  }
0x25: {  	[simem:s6], [sflag:s4] =	dma.local [hbm:s3], $0xF7A  }
0x26: {  	[smem:$0x3F9E] =	sst s1;
	(tag) =	ssettag s2;
	_ =	strace s9  }
0x27: {  	s1 =	sld [smem:$0x3FAE]  }
0x28: {  	s2 =	sld [smem:$0x3FAF]  }
0x29: {  	s4 =	sld [smem:$0x3FB1]  }
0x2a: {  	p0 =	seq.s32 s5, $0x0;
	s5 =	sld [smem:$0x3FB2]  }
0x2b: {  	s6 =	sld [smem:$0x3FB3]  }
0x2c: {  	s7 =	sld [smem:$0x3FB4]  }
0x2d: {  	s3 =	simm.s32 $0x108;
	s8 =	sld [smem:$0x3FB5]  }
0x2e: {  	s3 =	simm.s32 @!p0 $0x1082;
	s9 =	sld [smem:$0x3FB6]  }
0x2f: {  	lr =	sadd.s32 s0, s3;
	s0 =	sld [smem:$0x3FAD]  }
0x30: {  	s3 =	sld [smem:$0x3FB0]  }
0x31: {  	[smem:$0x3FB9] =	sst s10  }
0x32: {  	s10 =	sld [smem:$0x3FB7];
	_ =	sdelay $0x3  }
0x33: {  	p0 =	seq.s32 s10, $0x1;
	s10 =	sld [smem:$0x3FB9];
	_ =	sdelay $0x3  }
0x34: {  	[smem:$0x3FB9] =	sst s10  }
0x35: {  	s10 =	sld [smem:$0x3FB8];
	_ =	sdelay $0x3  }
0x36: {  	p1 =	seq.s32 s10, $0x1;
	s10 =	sld [smem:$0x3FB9];
	_ =	sdelay $0x3  }
0x37: {  	[smem:$0x3FB9] =	sst s10  }
0x38: {  	s10 =	sld [smem:$0x3FBA]  }
0x39: {  	_ = 	snop;
	(pc) =	sbr.ind lr, $3  }
0x3a: {  	_ = 	snop  }
0x3b: {  	_ = 	snop  }
0x3c: {  	p2 =	seq.s32 s10, $0x1;
	s10 =	sld [smem:$0x3FB9]  }
0x3d: {  	_ =	shalt  }
0x3e: {  	_ =	shalt  }
0x3f: {  	_ =	shalt  }
0x40: {  	_ =	shalt  }
0x41: {  	_ =	shalt  }
0x42: {  	_ =	shalt  }
0x43: {  	_ =	shalt  }
0x44: {  	_ =	shalt  }
0x45: {  	_ =	shalt  }
0x46: {  	_ =	shalt  }
0x47: {  	_ =	shalt  }
0x48: {  	_ =	shalt  }
0x49: {  	_ =	shalt  }
0x4a: {  	_ =	shalt  }
0x4b: {  	_ =	shalt  }
0x4c: {  	_ =	shalt  }
0x4d: {  	_ =	shalt  }
0x4e: {  	_ =	shalt  }
0x4f: {  	_ =	shalt  }
0x50: {  	_ =	shalt  }
0x51: {  	_ =	shalt  }
0x52: {  	_ =	shalt  }
0x53: {  	_ =	shalt  }
0x54: {  	_ =	shalt  }
0x55: {  	_ =	shalt  }
0x56: {  	_ =	shalt  }
0x57: {  	_ =	shalt  }
0x58: {  	_ =	shalt  }
0x59: {  	_ =	shalt  }
0x5a: {  	_ =	shalt  }
0x5b: {  	_ =	shalt  }
0x5c: {  	_ =	shalt  }
0x5d: {  	_ =	shalt  }
0x5e: {  	_ =	shalt  }
0x5f: {  	_ =	shalt  }
0x60: {  	_ =	shalt  }
0x61: {  	_ =	shalt  }
0x62: {  	_ =	shalt  }
0x63: {  	_ =	shalt  }
0x64: {  	_ =	shalt  }
0x65: {  	_ =	shalt  }
0x66: {  	_ =	shalt  }
0x67: {  	_ =	shalt  }
0x68: {  	_ =	shalt  }
0x69: {  	_ =	shalt  }
0x6a: {  	_ =	shalt  }
0x6b: {  	_ =	shalt  }
0x6c: {  	_ =	shalt  }
0x6d: {  	_ =	shalt  }
0x6e: {  	_ =	shalt  }
0x6f: {  	_ =	shalt  }
0x70: {  	_ =	shalt  }
0x71: {  	_ =	shalt  }
0x72: {  	_ =	shalt  }
0x73: {  	_ =	shalt  }
0x74: {  	_ =	shalt  }
0x75: {  	_ =	shalt  }
0x76: {  	_ =	shalt  }
0x77: {  	_ =	shalt  }
0x78: {  	_ =	shalt  }
0x79: {  	_ =	shalt  }
0x7a: {  	_ =	shalt  }
0x7b: {  	_ =	shalt  }
0x7c: {  	_ =	shalt  }
0x7d: {  	_ =	shalt  }
0x7e: {  	_ =	shalt  }
0x7f: {  	_ =	shalt  }
0x80: {  	_ =	shalt  }
0x81: {  	_ =	shalt  }
0x82: {  	_ =	shalt  }
0x83: {  	_ =	shalt  }
0x84: {  	_ =	shalt  }
0x85: {  	_ =	shalt  }
0x86: {  	_ =	shalt  }
0x87: {  	_ =	shalt  }
.Lfunc_end0:
.L_simem_size_0:
called_computation_lowered:
.L_overlay_start_0:
0x88: {  	s2 =	sld [smem:$0x3FD9]  }
0x89: {  	s3 =	sld [smem:$0x3FFE];
	_ =	sdelay $0x1  }
0x8a: {  	s1 =	srdreg.scid  }
0x8b: {  	s0 =	sand.u32 $0x1, s1  }
0x8c: {  	s18 =	sshll.u32 s0, $0xA;
	s2 =	sadd.s32 s3, s2  }
0x8d: {  	s2 =	sadd.s32 s2, s18  }
0x8e: {  	[smem:$0x3FC5] =	sst s2  }
0x8f: {  	_ = 	snop  }
0x90: {  	s2 =	sld [smem:$0x3FC9]  }
0x91: {  	s19 =	sld [smem:$0x3FC8]  }
0x92: {  	s4 =	sld [smem:$0x3FC7]  }
0x93: {  	s5 =	sld [smem:$0x3FD0];
	(tm) =	ssettm $0x1  }
0x94: {  	s6 =	sld [smem:$0x3FFB];
	_ =	sdelay $0x3  }
0x95: {  	_ =	strace s6  }
0x96: {  	s6 =	sld [smem:$0x3FFC];
	_ =	sdelay $0x3  }
0x97: {  	_ =	strace s6  }
0x98: {  	s6 =	sld [smem:$0x3FFD];
	_ =	sdelay $0x3  }
0x99: {  	_ =	strace s6  }
0x9a: {  	_ =	strace $0x8FFFFFFF  }
0x9b: {  	s20 =	sld [smem:$0x3FDB];
	_ =	sdelay $0x1  }
0x9c: {  	s7 =	simm.s32 $_scs_section_size  }
0x9d: {  	s8 =	simm.s32 $_size__tile_overlayer_lowered;
	s9 =	simm.s32 $_tile_overlayer_lowered  }
0x9e: {  	s23 =	simm.s32 $0x1BFF;
	s22 =	sshll.u32 s9, $0x1;
	s6 =	sadd.s32 s7, s20  }
0x9f: {  	s10 =	simm.s32 $0x0;
	s21 =	sshll.u32 s8, $0x1;
	s8 =	sadd.s32 s22, s6  }
0xa0: {  	[timem:s10], [sflag:s23] =	dma.local [hbm:s8], s21  }
0xa1: {  	_ =	swait.ge [sflag:s23], s21  }
0xa2: {  	s7 =	ssub.s32 $0x0, s21;
	[sflag:s23] =	ssyncset.done $0x0  }
0xa3: {  	[sflag:s23] =	ssyncadd.s32 s7;
	_ =	sdelay $0x1  }
0xa4: {  	s24 =	simm.s32 $0x1B8B  }
0xa5: {  	_ =	swait.ge [sflag:s24], $0x1  }
0xa6: {  	[sflag:s24] =	ssyncset.done $0x0  }
0xa7: {  	s25 =	simm.s32 $0x1B8E;
	[sflag:s24] =	ssyncadd.s32 $0xFFFFFFFF  }
0xa8: {  	s26 =	simm.s32 $execute0_lowered;
	[smem:$0x3FD2] =	sst s25  }
0xa9: {  	s7 =	sshll.u32 s26, $0x1;
	_ =	strace $0x80000046;
	[dreg:$0x1] =	wrdreg $0xFFFFFFFF  }
0xaa: {  	s28 =	simm.s32 $_size_execute0_lowered;
	s6 =	sadd.s32 s6, s7;
	[dreg:$0x0] =	wrdreg $0x0  }
0xab: {  	s7 =	sshll.u32 s28, $0x1;
	[dreg:$0x2] =	wrdreg s6  }
0xac: {  	[dreg:$0x3] =	wrdreg s7  }
0xad: {  	[dreg:$0x4] =	wrdreg $0xC0  }
0xae: {  	_ =	task [dreg:s10], $0x5FFFF  }
0xaf: {  	[dreg:$0x1] =	wrdreg $0xFFFFFFFF  }
0xb0: {  	[dreg:$0x0] =	wrdreg $0x60  }
0xb1: {  	[dreg:$0x2] =	wrdreg s2  }
0xb2: {  	[dreg:$0x3] =	wrdreg s19  }
0xb3: {  	[dreg:$0x4] =	wrdreg s4  }
0xb4: {  	[dreg:$0x5] =	wrdreg s5  }
0xb5: {  	[dreg:$0x6] =	wrdreg $0x9  }
0xb6: {  	_ =	task.clear_ibuf [dreg:s10], $0x7FFFF;
	_ =	strace $0x90000046  }
0xb7: {  	s29 =	simm.s32 $0x9;
	_ =	strace $0x80000048  }
0xb8: {  	_ =	swait.ge [sflag:s29], $0x1  }
0xb9: {  	[sflag:s29] =	ssyncadd.s32 $0xFFFFFFFF  }
0xba: {  	_ =	strace $0x90000048  }
0xbb: {  	_ =	sfence  }
0xbc: {  	s30 =	sld [smem:$0x0];
	_ =	sdelay $0x2  }
0xbd: {  	s31 =	sshll.u32 s1, $0xD;
	s1 =	sshrl.u32 s1, $0x2  }
0xbe: {  	s3 =	sand.u32 $0x4000, s31;
	s1 =	sadd.s32 s1, s30  }
0xbf: {  	s0 =	sor.u32 s3, s0;
	s1 =	sshll.u32 s1, $0x11  }
0xc0: {  	s0 =	sor.u32 s1, s0  }
0xc1: {  	s0 =	sadd.s32 $0x8F2B, s0  }
0xc2: {  	[sflag:s0] =	ssyncadd.remote.s32 $0x1  }
0xc3: {  	_ =	sfence.sel $0xFFFF  }
0xc4: {  	[dreg:$0x0] =	wrdreg $0xFFFFFFFF;
	(pc) =	sbr.abs _section_cstart, $3  }
0xc5: {  	[dreg:$0x1] =	wrdreg $0xFFFFFFFF  }
0xc6: {  	_ =	task.clear_ibuf [dreg:s10], $0x2FFFF;
	_ =	strace $0x9FFFFFFF  }
0xc7: {  	(tm) =	ssettm $0x7FFFFFFF  }
tec
execute0_lowered:
.L_overlay_start_1:
0x0: {  	(tag) =	ssettag $0x1  }
0x1: {  	s0 =	srdreg.scid  }
0x2: {  	s2 =	stileid.u32;
	s4 =	rddreg [dreg:$0x0];
	s6 =	simm.s32 $0x1  }
0x3: {  	s5 =	rddreg [dreg:$0x3];
	s28 =	simm.s32 $0xF900;
	s0 =	sand.u32 $0x1, s0  }
0x4: {  	s29 =	simm.s32 $0x2;
	s30 =	simm.s32 $0x0;
	s1 =	sshll.u32 s0, $0x4  }
0x5: {  	s0 =	ssub.s32 $0x2, s0;
	s3 =	sor.u32 s2, s1;
	s1 =	sand.u32 $0x7, s2  }
0x6: {  	s2 =	rddreg [dreg:$0x1];
	p1 =	seq.s32 s3, $0x0;
	p0 =	sne.s32 s1, $0x0  }
0x7: {  	s19 =	sshrl.u32 s0, $0x1;
	s3 =	sshrl.u32 s3, $0x3;
	p1 =	por !p0, !p1  }
0x8: {  	s8 =	sshll.u32 s1, $0xA;
	s0 =	ssub.s32 s0, s19;
	p1 =	por !p1, !p1  }
0x9: {  	s21 =	sshll.u32 s1, $0x12;
	s10 =	sadd.s32 $0x200, s2;
	s6 =	simm.s32 @!p1 $0x0  }
0xa: {  	s19 =	simm.s32 $0xC100;
	s0 =	smax.u32 s0, $0x1;
	s3 =	ssub.s32 s3, s6  }
0xb: {  	s6 =	sshll.u32 s3, $0xB;
	s9 =	sshll.u32 s3, $0x7;
	s11 =	sshll.u32 s3, $0x15  }
0xc: {  	s3 =	sshll.u32 s3, $0x12;
	s7 =	sand.u32 $0xFFFFE000, s6;
	s6 =	simm.s32 $0x0  }
0xd: {  	s18 =	sand.u32 $0x180, s9;
	s9 =	sadd.s32 $0x100, s2;
	s7 =	sor.u32 s8, s7  }
0xe: {  	s12 =	sand.u32 $0x1FFC0000, s3;
	[smem:$0x7FF] =	sst s6;
	s7 =	sor.u32 s18, s7  }
0xf: {  	_ =	strace $0x80000047;
	[dreg:$0x5] =	wrdreg s0;
	s20 =	sshrl.u32 s7, $0x3  }
0x10: {  	s18 =	simm.s32 $0x4100;
	s7 =	simm.s32 $0x1;
	s8 =	sadd.s32 s4, s20  }
0x11: {  	s4 =	sor.u32 s21, s11;
	s11 =	sadd.s32 $0x300, s2;
	s20 =	simm.s32 $0xC900  }
0x12: {  	s21 =	simm.s32 $0xD100;
	s22 =	sor.u32 $0x4000, s4;
	s24 =	sor.u32 $0xC000, s4  }
0x13: {  	s26 =	sor.u32 $0x8000, s4;
	s4 =	sshrl.u32 s4, $0x3;
	s23 =	sshrl.u32 s22, $0x3  }
.Ltmp0:
0x14: {  	s25 =	sshrl.u32 s24, $0x3;
	[dreg:$0x7] =	wrdreg s4;
	(pc) =	sbr.rel .LBB2_1-.Ltmp0, $4  }
0x15: {  	s31 =	sshrl.u32 s26, $0x3;
	s26 =	simm.s32 $0x8100;
	s0 =	sadd.s32 s23, s5  }
0x16: {  	v2 =	vlaneseq.u32;
	s22 =	simm.s32 $0xD900;
	[dreg:$0x6] =	wrdreg s0;
	s0 =	sadd.s32 s25, s5  }
0x17: {  	vm1 =	vmmov $0xffff;
	v0 =	vand.u32 $0x7, v2;
	v1 =	vshrl.u32 v2, $0x3;
	s24 =	simm.s32 $0xE900;
	[dreg:$0x8] =	wrdreg s0;
	s0 =	sadd.s32 s31, s5  }
0x18: {  	v2 =	vor.u32 $0x8, v2;
	v1 =	vmul.u32 $0x8, v1;
	vm0 =	vmmov @p0 $0xffff;
	s23 =	simm.s32 $0xE100;
	s25 =	simm.s32 $0xF100;
	[dreg:$0x9] =	wrdreg s0  }
.LBB2_4:
0x19: {  	_ =	swait.ge [sflag:s29], $0x4000  }
0x1a: {  	[sflag:s29] =	ssyncset.done $0x0  }
0x1b: {  	[sflag:s29] =	ssyncadd.s32 $0xFFFFC000  }
0x1c: {  	_ =	swait.ge [sflag:s29], $0x4000  }
0x1d: {  	[sflag:s29] =	ssyncset.done $0x0  }
0x1e: {  	[sflag:s29] =	ssyncadd.s32 $0xFFFFC000  }
0x1f: {  	_ =	swait.ge [sflag:s29], $0x4000  }
0x20: {  	s30 =	sadd.s32 $0x1, s30;
	s0 =	rddreg [dreg:$0x5]  }
0x21: {  	p1 =	sne.s32 s30, s0  }
.Ltmp1:
0x22: {  	_ = 	snop;
	(pc) =	sbr.rel @!p1 .LBB2_5-.Ltmp1, $3  }
0x23: {  	_ =	sdelay $0x1  }
0x24: {  	[sflag:s29] =	ssyncset.done $0x0  }
0x25: {  	[sflag:s29] =	ssyncadd.s32 $0xFFFFC000  }
.LBB2_1:
0x26: {  	s0 =	simm.s32 @p0 $0x80;
	s4 =	simm.s32 @p0 $0x200;
	s13 =	simm.s32 @p0 $0x0  }
0x27: {  	[tilespmem:s13], [sflag:$0x4] =	stream.strided.gather @p0 [hbm4b:s8+s0], $0x100, s4, s0, $0x38;
	[tilespmem:$0x14100] =	vst v63  }
0x28: {  	s0 =	simm.s32 @p0 $0x4  }
0x29: {  	_ =	swait.ge @p0 [sflag:s0], $0x100  }
0x2a: {  	[sflag:s0] =	ssyncset.done @p0 $0x0  }
0x2b: {  	[sflag:s0] =	ssyncadd.s32 @p0 $0xFFFFFF00  }
0x2c: {  	v3 =	vld @p0 [tilespmem:$0x0];
	_ =	sdelay $0x4  }
0x2d: {  	v4 =	vshll.u32 @p0 v3, $0x3  }
0x2e: {  	v5 =	vlaneseq.u32 @p0;
	v3 =	vand.u32 @p0 $0x7, v3;
	v4 =	vand.u32 @p0 $0xFFFFFFC0, v4  }
0x2f: {  	v6 =	vshrl.u32 @p0 v5, $0x3;
	v3 =	vor.u32 @p0 v3, v4;
	v4 =	vand.u32 @p0 $0x7, v5  }
0x30: {  	v6 =	vmul.u32 @p0 $0x8, v6;
	v4 =	vperm.xlane @p0 v3, v4;
	_ =	sdelay $0x1  }
0x31: {  	v4 =	vadd.s32 @p0 v6, v4;
	_ =	sdelay $0x3  }
0x32: {  	s0 =	simm.s32 @p0 $0x100  }
0x33: {  	v5 =	vor.u32 @p0 $0x8, v5;
	[tilespmem:s0], [sflag:$0x1] =	stream.indirect_vreg.gather @p0 [hbm4b:s2+s13], $0x80, v4, vm0, $0xb8;
	[tilespmem:$0x14100] =	vst v63  }
0x34: {  	v3 =	vperm.xlane @p0 v3, v5;
	s0 =	simm.s32 @p0 $0x900  }
0x35: {  	[tilespmem:s0], [sflag:$0x1] =	stream.indirect_vreg.gather @p0 [hbm4b:s9+s13], $0x80, v4, vm0, $0xb8;
	[tilespmem:$0x14100] =	vst v63  }
0x36: {  	v3 =	vadd.s32 @p0 v6, v3;
	s0 =	simm.s32 @p0 $0x1100  }
0x37: {  	[tilespmem:s0], [sflag:$0x1] =	stream.indirect_vreg.gather @p0 [hbm4b:s10+s13], $0x80, v4, vm0, $0xb8;
	[tilespmem:$0x14100] =	vst v63  }
0x38: {  	s0 =	simm.s32 @p0 $0x1900  }
0x39: {  	[tilespmem:s0], [sflag:$0x1] =	stream.indirect_vreg.gather @p0 [hbm4b:s11+s13], $0x80, v4, vm0, $0xb8;
	[tilespmem:$0x14100] =	vst v63  }
0x3a: {  	s0 =	simm.s32 @p0 $0x2100  }
0x3b: {  	[tilespmem:s0], [sflag:$0x1] =	stream.indirect_vreg.gather @p0 [hbm4b:s2+s13], $0x80, v3, vm0, $0xb8;
	[tilespmem:$0x14100] =	vst v63  }
0x3c: {  	s0 =	simm.s32 @p0 $0x2900  }
0x3d: {  	[tilespmem:s0], [sflag:$0x1] =	stream.indirect_vreg.gather @p0 [hbm4b:s9+s13], $0x80, v3, vm0, $0xb8;
	[tilespmem:$0x14100] =	vst v63  }
0x3e: {  	s0 =	simm.s32 @p0 $0x3100  }
0x3f: {  	[tilespmem:s0], [sflag:$0x1] =	stream.indirect_vreg.gather @p0 [hbm4b:s10+s13], $0x80, v3, vm0, $0xb8;
	[tilespmem:$0x14100] =	vst v63  }
0x40: {  	s0 =	simm.s32 @p0 $0x3900  }
0x41: {  	[tilespmem:s0], [sflag:$0x1] =	stream.indirect_vreg.gather @p0 [hbm4b:s11+s13], $0x80, v3, vm0, $0xb8;
	[tilespmem:$0x14100] =	vst v63  }
0x42: {  	s4 =	simm.s32 @!p0 $0x10100;
	s3 =	rddreg [dreg:$0x2];
	s0 =	simm.s32 @!p0 $0x0  }
0x43: {  	[tilespmem:s4], [sflag:$0x3] =	stream.linear.gather @!p0 [hbm4b:s3+s0], $0x4000, $0x38;
	[tilespmem:$0x14100] =	vst v63  }
0x44: {  	s13 =	simm.s32 @!p0 $0x200;
	s4 =	simm.s32 @!p0 $0x80  }
0x45: {  	[tilespmem:s0], [sflag:$0x4] =	stream.strided.gather @!p0 [hbm4b:s8+s4], $0x100, s13, s4, $0x38;
	[tilespmem:$0x14100] =	vst v63  }
0x46: {  	s0 =	simm.s32 @!p0 $0x4  }
0x47: {  	_ =	swait.ge @!p0 [sflag:s0], $0x100  }
0x48: {  	[sflag:s0] =	ssyncset.done @!p0 $0x0  }
0x49: {  	[sflag:s0] =	ssyncadd.s32 @!p0 $0xFFFFFF00  }
0x4a: {  	v3 =	vld [tilespmem:$0x10];
	_ =	sdelay $0x4  }
0x4b: {  	v61 =	vshll.u32 v3, $0x3  }
0x4c: {  	v3 =	vand.u32 $0x7, v3;
	v4 =	vand.u32 $0xFFFFFFC0, v61  }
0x4d: {  	v3 =	vor.u32 v3, v4  }
0x4e: {  	v4 =	vperm.xlane v3, v0;
	_ =	sdelay $0x1  }
0x4f: {  	v4 =	vadd.s32 v1, v4;
	_ =	sdelay $0x4  }
0x50: {  	[tilespmem:s18], [sflag:$0x1] =	stream.indirect_vreg.gather [hbm4b:s2+s6], $0x80, v4, vm1, $0xb8;
	[tilespmem:$0x14100] =	vst v63  }
0x51: {  	s3 =	simm.s32 $0x4900;
	v3 =	vperm.xlane v3, v2  }
0x52: {  	[tilespmem:s3], [sflag:$0x1] =	stream.indirect_vreg.gather [hbm4b:s9+s6], $0x80, v4, vm1, $0xb8;
	[tilespmem:$0x14100] =	vst v63  }
0x53: {  	s4 =	simm.s32 $0x5100;
	v3 =	vadd.s32 v1, v3  }
0x54: {  	[tilespmem:s4], [sflag:$0x1] =	stream.indirect_vreg.gather [hbm4b:s10+s6], $0x80, v4, vm1, $0xb8;
	[tilespmem:$0x14100] =	vst v63  }
0x55: {  	s13 =	simm.s32 $0x5900  }
0x56: {  	[tilespmem:s13], [sflag:$0x1] =	stream.indirect_vreg.gather [hbm4b:s11+s6], $0x80, v4, vm1, $0xb8;
	[tilespmem:$0x14100] =	vst v63  }
0x57: {  	s14 =	simm.s32 $0x6100  }
0x58: {  	[tilespmem:s14], [sflag:$0x1] =	stream.indirect_vreg.gather [hbm4b:s2+s6], $0x80, v3, vm1, $0xb8;
	[tilespmem:$0x14100] =	vst v63  }
0x59: {  	s15 =	simm.s32 $0x6900  }
0x5a: {  	[tilespmem:s15], [sflag:$0x1] =	stream.indirect_vreg.gather [hbm4b:s9+s6], $0x80, v3, vm1, $0xb8;
	[tilespmem:$0x14100] =	vst v63  }
0x5b: {  	s16 =	simm.s32 $0x7100  }
0x5c: {  	[tilespmem:s16], [sflag:$0x1] =	stream.indirect_vreg.gather [hbm4b:s10+s6], $0x80, v3, vm1, $0xb8;
	[tilespmem:$0x14100] =	vst v63  }
0x5d: {  	s17 =	simm.s32 $0x7900  }
0x5e: {  	[tilespmem:s17], [sflag:$0x1] =	stream.indirect_vreg.gather [hbm4b:s11+s6], $0x80, v3, vm1, $0xb8;
	[tilespmem:$0x14100] =	vst v63  }
0x5f: {  	v3 =	vld [tilespmem:$0x20];
	_ =	sdelay $0x4  }
0x60: {  	v62 =	vshll.u32 v3, $0x3  }
0x61: {  	v3 =	vand.u32 $0x7, v3;
	v4 =	vand.u32 $0xFFFFFFC0, v62  }
0x62: {  	v3 =	vor.u32 v3, v4  }
0x63: {  	v4 =	vperm.xlane v3, v0;
	_ =	sdelay $0x1  }
0x64: {  	v4 =	vadd.s32 v1, v4;
	_ =	sdelay $0x4  }
0x65: {  	[tilespmem:s26], [sflag:$0x1] =	stream.indirect_vreg.gather [hbm4b:s2+s6], $0x80, v4, vm1, $0xb8;
	[tilespmem:$0x14100] =	vst v63  }
0x66: {  	s3 =	simm.s32 $0x8900;
	v3 =	vperm.xlane v3, v2  }
0x67: {  	[tilespmem:s3], [sflag:$0x1] =	stream.indirect_vreg.gather [hbm4b:s9+s6], $0x80, v4, vm1, $0xb8;
	[tilespmem:$0x14100] =	vst v63  }
0x68: {  	s4 =	simm.s32 $0x9100;
	v3 =	vadd.s32 v1, v3  }
0x69: {  	[tilespmem:s4], [sflag:$0x1] =	stream.indirect_vreg.gather [hbm4b:s10+s6], $0x80, v4, vm1, $0xb8;
	[tilespmem:$0x14100] =	vst v63  }
0x6a: {  	s13 =	simm.s32 $0x9900  }
0x6b: {  	[tilespmem:s13], [sflag:$0x1] =	stream.indirect_vreg.gather [hbm4b:s11+s6], $0x80, v4, vm1, $0xb8;
	[tilespmem:$0x14100] =	vst v63  }
0x6c: {  	s14 =	simm.s32 $0xA100  }
0x6d: {  	[tilespmem:s14], [sflag:$0x1] =	stream.indirect_vreg.gather [hbm4b:s2+s6], $0x80, v3, vm1, $0xb8;
	[tilespmem:$0x14100] =	vst v63  }
0x6e: {  	s15 =	simm.s32 $0xA900  }
0x6f: {  	[tilespmem:s15], [sflag:$0x1] =	stream.indirect_vreg.gather [hbm4b:s9+s6], $0x80, v3, vm1, $0xb8;
	[tilespmem:$0x14100] =	vst v63  }
0x70: {  	s16 =	simm.s32 $0xB100  }
0x71: {  	[tilespmem:s16], [sflag:$0x1] =	stream.indirect_vreg.gather [hbm4b:s10+s6], $0x80, v3, vm1, $0xb8;
	[tilespmem:$0x14100] =	vst v63  }
0x72: {  	s17 =	simm.s32 $0xB900  }
0x73: {  	[tilespmem:s17], [sflag:$0x1] =	stream.indirect_vreg.gather [hbm4b:s11+s6], $0x80, v3, vm1, $0xb8;
	[tilespmem:$0x14100] =	vst v63  }
0x74: {  	v3 =	vld [tilespmem:$0x30];
	_ =	sdelay $0x4  }
0x75: {  	v63 =	vshll.u32 v3, $0x3  }
0x76: {  	v3 =	vand.u32 $0x7, v3;
	v4 =	vand.u32 $0xFFFFFFC0, v63  }
0x77: {  	v3 =	vor.u32 v3, v4  }
0x78: {  	v4 =	vperm.xlane v3, v0;
	_ =	sdelay $0x1  }
0x79: {  	v4 =	vadd.s32 v1, v4;
	_ =	sdelay $0x4  }
0x7a: {  	[tilespmem:s19], [sflag:$0x1] =	stream.indirect_vreg.gather [hbm4b:s2+s6], $0x80, v4, vm1, $0xb8;
	[tilespmem:$0x14100] =	vst v63  }
0x7b: {  	v3 =	vperm.xlane v3, v2  }
0x7c: {  	[tilespmem:s20], [sflag:$0x1] =	stream.indirect_vreg.gather [hbm4b:s9+s6], $0x80, v4, vm1, $0xb8;
	[tilespmem:$0x14100] =	vst v63  }
0x7d: {  	v3 =	vadd.s32 v1, v3  }
0x7e: {  	[tilespmem:s21], [sflag:$0x1] =	stream.indirect_vreg.gather [hbm4b:s10+s6], $0x80, v4, vm1, $0xb8;
	[tilespmem:$0x14100] =	vst v63  }
0x7f: {  	_ = 	snop  }
0x80: {  	[tilespmem:s22], [sflag:$0x1] =	stream.indirect_vreg.gather [hbm4b:s11+s6], $0x80, v4, vm1, $0xb8;
	[tilespmem:$0x14100] =	vst v63  }
0x81: {  	s14 =	rddreg [dreg:$0x6]  }
0x82: {  	[tilespmem:s23], [sflag:$0x1] =	stream.indirect_vreg.gather [hbm4b:s2+s6], $0x80, v3, vm1, $0xb8;
	[tilespmem:$0x14100] =	vst v63  }
0x83: {  	s15 =	rddreg [dreg:$0x7]  }
0x84: {  	[tilespmem:s24], [sflag:$0x1] =	stream.indirect_vreg.gather [hbm4b:s9+s6], $0x80, v3, vm1, $0xb8;
	[tilespmem:$0x14100] =	vst v63  }
0x85: {  	s16 =	rddreg [dreg:$0x8]  }
0x86: {  	[tilespmem:s25], [sflag:$0x1] =	stream.indirect_vreg.gather [hbm4b:s10+s6], $0x80, v3, vm1, $0xb8;
	[tilespmem:$0x14100] =	vst v63  }
0x87: {  	s31 =	simm.s32 $0x70;
	s13 =	simm.s32 $0x0;
	s17 =	rddreg [dreg:$0x9]  }
0x88: {  	[tilespmem:s28], [sflag:$0x1] =	stream.indirect_vreg.gather [hbm4b:s11+s6], $0x80, v3, vm1, $0xb8;
	[tilespmem:$0x14100] =	vst v63  }
.LBB2_2:
0x89: {  	s0 =	sor.u32 s1, s13  }
0x8a: {  	p1 =	sne.s32 s0, $0x0  }
0x8b: {  	s0 =	simm.s32 @p1 $0x1  }
0x8c: {  	_ =	swait.ge @p1 [sflag:s0], $0x4000  }
0x8d: {  	[sflag:s0] =	ssyncset.done @p1 $0x0  }
0x8e: {  	[sflag:s0] =	ssyncadd.s32 @p1 $0xFFFFC000;
	s0 =	simm.s32 @!p1 $0x3  }
0x8f: {  	s4 =	smov.u32 s12;
	s3 =	simm.s32 @!p1 $0x10100;
	_ =	swait.ge @!p1 [sflag:s0], $0x4000  }
0x90: {  	s4 =	smov.u32 @p1 s15;
	s3 =	simm.s32 @p1 $0x100;
	[sflag:s0] =	ssyncset.done @!p1 $0x0  }
0x91: {  	s4 =	sadd.s32 s5, s4;
	[sflag:s0] =	ssyncadd.s32 @!p1 $0xFFFFC000;
	p1 =	seq.s32 s13, $0x3  }
0x92: {  	[hbm4b:s4+s6] =	stream.linear.scatter [tilespmem:s3], [sflag:$0x2], $0x4000, $0x38;
	[tilespmem:$0x14100] =	vst v63  }
0x93: {  	s0 =	simm.s32 @!p1 $0x2  }
0x94: {  	_ =	swait.ge @!p1 [sflag:s0], $0x4000  }
0x95: {  	[sflag:s0] =	ssyncset.done @!p1 $0x0  }
0x96: {  	[sflag:s0] =	ssyncadd.s32 @!p1 $0xFFFFC000  }
0x97: {  	v3 =	vld @!p1 [tilespmem:s31+$0xFFFFFFD0];
	_ =	sdelay $0x4  }
0x98: {  	v4 =	vshll.u32 @!p1 v3, $0x3  }
0x99: {  	v5 =	vlaneseq.u32 @!p1;
	v3 =	vand.u32 @!p1 $0x7, v3;
	v4 =	vand.u32 @!p1 $0xFFFFFFC0, v4  }
0x9a: {  	v6 =	vshrl.u32 @!p1 v5, $0x3;
	v3 =	vor.u32 @!p1 v3, v4;
	v4 =	vand.u32 @!p1 $0x7, v5  }
0x9b: {  	v6 =	vmul.u32 @!p1 $0x8, v6;
	v7 =	vperm.xlane @!p1 v3, v4;
	_ =	sdelay $0x1  }
0x9c: {  	v7 =	vadd.s32 @!p1 v6, v7;
	_ =	sdelay $0x3  }
0x9d: {  	vm2 =	vmmov @!p1 $0xffff;
	s4 =	simm.s32 @!p1 $0x0;
	s3 =	simm.s32 @!p1 $0x100  }
0x9e: {  	v5 =	vor.u32 @!p1 $0x8, v5;
	[tilespmem:s3], [sflag:$0x1] =	stream.indirect_vreg.gather @!p1 [hbm4b:s2+s4], $0x80, v7, vm2, $0xb8;
	[tilespmem:$0x14100] =	vst v63  }
0x9f: {  	v3 =	vperm.xlane @!p1 v3, v5;
	s3 =	simm.s32 @!p1 $0x900  }
0xa0: {  	[tilespmem:s3], [sflag:$0x1] =	stream.indirect_vreg.gather @!p1 [hbm4b:s9+s4], $0x80, v7, vm2, $0xb8;
	[tilespmem:$0x14100] =	vst v63  }
0xa1: {  	v3 =	vadd.s32 @!p1 v6, v3;
	s3 =	simm.s32 @!p1 $0x1100  }
0xa2: {  	[tilespmem:s3], [sflag:$0x1] =	stream.indirect_vreg.gather @!p1 [hbm4b:s10+s4], $0x80, v7, vm2, $0xb8;
	[tilespmem:$0x14100] =	vst v63  }
0xa3: {  	s3 =	simm.s32 @!p1 $0x1900  }
0xa4: {  	[tilespmem:s3], [sflag:$0x1] =	stream.indirect_vreg.gather @!p1 [hbm4b:s11+s4], $0x80, v7, vm2, $0xb8;
	[tilespmem:$0x14100] =	vst v63  }
0xa5: {  	s3 =	simm.s32 @!p1 $0x2100  }
0xa6: {  	[tilespmem:s3], [sflag:$0x1] =	stream.indirect_vreg.gather @!p1 [hbm4b:s2+s4], $0x80, v3, vm2, $0xb8;
	[tilespmem:$0x14100] =	vst v63  }
0xa7: {  	s3 =	simm.s32 @!p1 $0x2900  }
0xa8: {  	[tilespmem:s3], [sflag:$0x1] =	stream.indirect_vreg.gather @!p1 [hbm4b:s9+s4], $0x80, v3, vm2, $0xb8;
	[tilespmem:$0x14100] =	vst v63  }
0xa9: {  	s3 =	simm.s32 @!p1 $0x3100  }
0xaa: {  	[tilespmem:s3], [sflag:$0x1] =	stream.indirect_vreg.gather @!p1 [hbm4b:s10+s4], $0x80, v3, vm2, $0xb8;
	[tilespmem:$0x14100] =	vst v63  }
0xab: {  	s3 =	simm.s32 @!p1 $0x3900  }
0xac: {  	[tilespmem:s3], [sflag:$0x1] =	stream.indirect_vreg.gather @!p1 [hbm4b:s11+s4], $0x80, v3, vm2, $0xb8;
	[tilespmem:$0x14100] =	vst v63  }
0xad: {  	_ =	swait.ge [sflag:s7], $0x4000  }
0xae: {  	[sflag:s7] =	ssyncset.done $0x0  }
0xaf: {  	[sflag:s7] =	ssyncadd.s32 $0xFFFFC000  }
0xb0: {  	[hbm4b:s14+s6] =	stream.linear.scatter [tilespmem:s18], [sflag:$0x2], $0x4000, $0x38;
	[tilespmem:$0x14100] =	vst v63  }
0xb1: {  	_ =	swait.ge @!p1 [sflag:s0], $0x4000  }
0xb2: {  	[sflag:s0] =	ssyncset.done @!p1 $0x0  }
0xb3: {  	[sflag:s0] =	ssyncadd.s32 @!p1 $0xFFFFC000  }
0xb4: {  	v3 =	vld @!p1 [tilespmem:s31+$0xFFFFFFE0];
	_ =	sdelay $0x4  }
0xb5: {  	v7 =	vshll.u32 @!p1 v3, $0x3  }
0xb6: {  	v3 =	vand.u32 @!p1 $0x7, v3;
	v7 =	vand.u32 @!p1 $0xFFFFFFC0, v7  }
0xb7: {  	v3 =	vor.u32 @!p1 v3, v7  }
0xb8: {  	v7 =	vperm.xlane @!p1 v3, v4;
	_ =	sdelay $0x1  }
0xb9: {  	v7 =	vadd.s32 @!p1 v6, v7;
	_ =	sdelay $0x3  }
0xba: {  	s3 =	simm.s32 @!p1 $0x4100  }
0xbb: {  	[tilespmem:s3], [sflag:$0x1] =	stream.indirect_vreg.gather @!p1 [hbm4b:s2+s4], $0x80, v7, vm2, $0xb8;
	[tilespmem:$0x14100] =	vst v63  }
0xbc: {  	v3 =	vperm.xlane @!p1 v3, v5;
	s3 =	simm.s32 @!p1 $0x4900  }
0xbd: {  	[tilespmem:s3], [sflag:$0x1] =	stream.indirect_vreg.gather @!p1 [hbm4b:s9+s4], $0x80, v7, vm2, $0xb8;
	[tilespmem:$0x14100] =	vst v63  }
0xbe: {  	v3 =	vadd.s32 @!p1 v6, v3;
	s3 =	simm.s32 @!p1 $0x5100  }
0xbf: {  	[tilespmem:s3], [sflag:$0x1] =	stream.indirect_vreg.gather @!p1 [hbm4b:s10+s4], $0x80, v7, vm2, $0xb8;
	[tilespmem:$0x14100] =	vst v63  }
0xc0: {  	s3 =	simm.s32 @!p1 $0x5900  }
0xc1: {  	[tilespmem:s3], [sflag:$0x1] =	stream.indirect_vreg.gather @!p1 [hbm4b:s11+s4], $0x80, v7, vm2, $0xb8;
	[tilespmem:$0x14100] =	vst v63  }
0xc2: {  	s3 =	simm.s32 @!p1 $0x6100  }
0xc3: {  	[tilespmem:s3], [sflag:$0x1] =	stream.indirect_vreg.gather @!p1 [hbm4b:s2+s4], $0x80, v3, vm2, $0xb8;
	[tilespmem:$0x14100] =	vst v63  }
0xc4: {  	s3 =	simm.s32 @!p1 $0x6900  }
0xc5: {  	[tilespmem:s3], [sflag:$0x1] =	stream.indirect_vreg.gather @!p1 [hbm4b:s9+s4], $0x80, v3, vm2, $0xb8;
	[tilespmem:$0x14100] =	vst v63  }
0xc6: {  	s3 =	simm.s32 @!p1 $0x7100  }
0xc7: {  	[tilespmem:s3], [sflag:$0x1] =	stream.indirect_vreg.gather @!p1 [hbm4b:s10+s4], $0x80, v3, vm2, $0xb8;
	[tilespmem:$0x14100] =	vst v63  }
0xc8: {  	s3 =	simm.s32 @!p1 $0x7900  }
0xc9: {  	[tilespmem:s3], [sflag:$0x1] =	stream.indirect_vreg.gather @!p1 [hbm4b:s11+s4], $0x80, v3, vm2, $0xb8;
	[tilespmem:$0x14100] =	vst v63  }
0xca: {  	_ =	swait.ge [sflag:s7], $0x4000  }
0xcb: {  	[sflag:s7] =	ssyncset.done $0x0  }
0xcc: {  	[sflag:s7] =	ssyncadd.s32 $0xFFFFC000  }
0xcd: {  	[hbm4b:s17+s6] =	stream.linear.scatter [tilespmem:s26], [sflag:$0x2], $0x4000, $0x38;
	[tilespmem:$0x14100] =	vst v63  }
0xce: {  	_ =	swait.ge @!p1 [sflag:s0], $0x4000  }
0xcf: {  	[sflag:s0] =	ssyncset.done @!p1 $0x0  }
0xd0: {  	[sflag:s0] =	ssyncadd.s32 @!p1 $0xFFFFC000  }
0xd1: {  	v3 =	vld @!p1 [tilespmem:s31+$0xFFFFFFF0];
	_ =	sdelay $0x4  }
0xd2: {  	v7 =	vshll.u32 @!p1 v3, $0x3  }
0xd3: {  	v3 =	vand.u32 @!p1 $0x7, v3;
	v7 =	vand.u32 @!p1 $0xFFFFFFC0, v7  }
0xd4: {  	v3 =	vor.u32 @!p1 v3, v7  }
0xd5: {  	v4 =	vperm.xlane @!p1 v3, v4;
	_ =	sdelay $0x1  }
0xd6: {  	v4 =	vadd.s32 @!p1 v6, v4;
	_ =	sdelay $0x3  }
0xd7: {  	s0 =	simm.s32 @!p1 $0x8100  }
0xd8: {  	[tilespmem:s0], [sflag:$0x1] =	stream.indirect_vreg.gather @!p1 [hbm4b:s2+s4], $0x80, v4, vm2, $0xb8;
	[tilespmem:$0x14100] =	vst v63  }
0xd9: {  	v3 =	vperm.xlane @!p1 v3, v5;
	s0 =	simm.s32 @!p1 $0x8900  }
0xda: {  	[tilespmem:s0], [sflag:$0x1] =	stream.indirect_vreg.gather @!p1 [hbm4b:s9+s4], $0x80, v4, vm2, $0xb8;
	[tilespmem:$0x14100] =	vst v63  }
0xdb: {  	v3 =	vadd.s32 @!p1 v6, v3;
	s0 =	simm.s32 @!p1 $0x9100  }
0xdc: {  	[tilespmem:s0], [sflag:$0x1] =	stream.indirect_vreg.gather @!p1 [hbm4b:s10+s4], $0x80, v4, vm2, $0xb8;
	[tilespmem:$0x14100] =	vst v63  }
0xdd: {  	s0 =	simm.s32 @!p1 $0x9900  }
0xde: {  	[tilespmem:s0], [sflag:$0x1] =	stream.indirect_vreg.gather @!p1 [hbm4b:s11+s4], $0x80, v4, vm2, $0xb8;
	[tilespmem:$0x14100] =	vst v63  }
0xdf: {  	s0 =	simm.s32 @!p1 $0xA100  }
0xe0: {  	[tilespmem:s0], [sflag:$0x1] =	stream.indirect_vreg.gather @!p1 [hbm4b:s2+s4], $0x80, v3, vm2, $0xb8;
	[tilespmem:$0x14100] =	vst v63  }
0xe1: {  	s0 =	simm.s32 @!p1 $0xA900  }
0xe2: {  	[tilespmem:s0], [sflag:$0x1] =	stream.indirect_vreg.gather @!p1 [hbm4b:s9+s4], $0x80, v3, vm2, $0xb8;
	[tilespmem:$0x14100] =	vst v63  }
0xe3: {  	s0 =	simm.s32 @!p1 $0xB100  }
0xe4: {  	[tilespmem:s0], [sflag:$0x1] =	stream.indirect_vreg.gather @!p1 [hbm4b:s10+s4], $0x80, v3, vm2, $0xb8;
	[tilespmem:$0x14100] =	vst v63  }
0xe5: {  	s0 =	simm.s32 @!p1 $0xB900  }
0xe6: {  	[tilespmem:s0], [sflag:$0x1] =	stream.indirect_vreg.gather @!p1 [hbm4b:s11+s4], $0x80, v3, vm2, $0xb8;
	[tilespmem:$0x14100] =	vst v63  }
0xe7: {  	_ =	swait.ge [sflag:s7], $0x4000  }
0xe8: {  	[sflag:s7] =	ssyncset.done $0x0  }
.Ltmp2:
0xe9: {  	[sflag:s7] =	ssyncadd.s32 $0xFFFFC000;
	(pc) =	sbr.rel @p1 .LBB2_4-.Ltmp2, $4  }
0xea: {  	[hbm4b:s16+s6] =	stream.linear.scatter [tilespmem:s19], [sflag:$0x2], $0x4000, $0x38;
	[tilespmem:$0x14100] =	vst v63  }
0xeb: {  	_ =	swait.ge [sflag:s29], $0x4000  }
0xec: {  	[sflag:s29] =	ssyncset.done $0x0  }
0xed: {  	[sflag:s29] =	ssyncadd.s32 $0xFFFFC000  }
0xee: {  	v3 =	vld [tilespmem:s31+$0x0];
	_ =	sdelay $0x4  }
0xef: {  	v4 =	vshll.u32 v3, $0x3  }
0xf0: {  	v3 =	vand.u32 $0x7, v3;
	v4 =	vand.u32 $0xFFFFFFC0, v4  }
0xf1: {  	v3 =	vor.u32 v3, v4  }
0xf2: {  	v4 =	vperm.xlane v3, v0;
	_ =	sdelay $0x1  }
0xf3: {  	v4 =	vadd.s32 v1, v4;
	_ =	sdelay $0x4  }
0xf4: {  	[tilespmem:s19], [sflag:$0x1] =	stream.indirect_vreg.gather [hbm4b:s2+s6], $0x80, v4, vm1, $0xb8;
	[tilespmem:$0x14100] =	vst v63  }
0xf5: {  	v3 =	vperm.xlane v3, v2  }
0xf6: {  	[tilespmem:s20], [sflag:$0x1] =	stream.indirect_vreg.gather [hbm4b:s9+s6], $0x80, v4, vm1, $0xb8;
	[tilespmem:$0x14100] =	vst v63  }
0xf7: {  	v3 =	vadd.s32 v1, v3  }
0xf8: {  	[tilespmem:s21], [sflag:$0x1] =	stream.indirect_vreg.gather [hbm4b:s10+s6], $0x80, v4, vm1, $0xb8;
	[tilespmem:$0x14100] =	vst v63  }
0xf9: {  	_ = 	snop  }
0xfa: {  	[tilespmem:s22], [sflag:$0x1] =	stream.indirect_vreg.gather [hbm4b:s11+s6], $0x80, v4, vm1, $0xb8;
	[tilespmem:$0x14100] =	vst v63  }
0xfb: {  	_ = 	snop  }
0xfc: {  	[tilespmem:s23], [sflag:$0x1] =	stream.indirect_vreg.gather [hbm4b:s2+s6], $0x80, v3, vm1, $0xb8;
	[tilespmem:$0x14100] =	vst v63  }
0xfd: {  	_ = 	snop  }
0xfe: {  	[tilespmem:s24], [sflag:$0x1] =	stream.indirect_vreg.gather [hbm4b:s9+s6], $0x80, v3, vm1, $0xb8;
	[tilespmem:$0x14100] =	vst v63  }
.Ltmp3:
0xff: {  	_ = 	snop;
	(pc) =	sbr.rel .LBB2_2-.Ltmp3, $4  }
0x100: {  	s13 =	sadd.s32 $0x1, s13;
	s14 =	sadd.s32 $0x2000, s14;
	s31 =	sadd.s32 $0x40, s31  }
0x101: {  	[tilespmem:s25], [sflag:$0x1] =	stream.indirect_vreg.gather [hbm4b:s10+s6], $0x80, v3, vm1, $0xb8;
	[tilespmem:$0x14100] =	vst v63  }
0x102: {  	s15 =	sadd.s32 $0x2000, s15;
	s16 =	sadd.s32 $0x2000, s16;
	s17 =	sadd.s32 $0x2000, s17  }
0x103: {  	[tilespmem:s28], [sflag:$0x1] =	stream.indirect_vreg.gather [hbm4b:s11+s6], $0x80, v3, vm1, $0xb8;
	[tilespmem:$0x14100] =	vst v63  }
.LBB2_5:
0x104: {  	_ =	sfence.sel $0x180000  }
0x105: {  	[bflag:$0x0] =	sbarrier.arrive $0xFFFF  }
0x106: {  	_ =	strace $0x90000047  }
0x107: {  	s0 =	stileid.u32;
	[bflag:$0x2] =	sbarrier.arrive $0xFFFF  }
0x108: {  	p0 =	sne.s32 s0, $0x0;
	s0 =	rddreg [dreg:$0x4]  }
0x109: {  	s0 =	sadd.s32 @!p0 $0x100000, s0  }
0x10a: {  	[sflag:s0] =	ssyncadd.tile.s32 @!p0 $0x1;
	_ =	shalt  }
.Lfunc_end2:
_tile_overlayer_lowered:
.L_overlay_start_2:
0x10b: {  	(tag) =	ssettag $0x2  }
0x10c: {  	s0 =	rddreg [dreg:$0x0];
	s2 =	stileid.u32  }
0x10d: {  	s1 =	rddreg [dreg:$0x1];
	p0 =	sne.s32 s2, $0x0  }
0x10e: {  	s3 =	rddreg [dreg:$0x2];
	[bflag:$0x3] =	sbarrier.arrive $0xFFFF;
	s2 =	simm.s32 @!p0 $0x1C04  }
0x10f: {  	[timem:s3], [sflag:s2] =	dma.local @!p0 [hbm:s0], s1  }
0x110: {  	s0 =	simm.s32 @!p0 $0x4  }
0x111: {  	_ =	swait.ge @!p0 [sflag:s0], s1  }
0x112: {  	s1 =	ssub.s32 @!p0 $0x0, s1;
	[sflag:s0] =	ssyncset.done @!p0 $0x0  }
0x113: {  	[sflag:s0] =	ssyncadd.s32 @!p0 s1  }
0x114: {  	[bflag:$0x3] =	sbarrier.arrive $0xFFFF  }
0x115: {  	_ =	shalt  }

</sc_bundles>
